<compile_context>
chip_gen: v7x
topology: tpu7x:2x2x1
jax: 0.10.2.dev20260603
libtpu: 0.0.44.dev20260713+nightly
codegen_flags: <defaults>
</compile_context>

<pallas_src>
import functools
import jax
import jax.numpy as jnp
from jax import lax
from jax.experimental import pallas as pl
from jax.experimental.pallas import tpu as pltpu
from jax.experimental.pallas import tpu_sc as plsc

NODES = 40962
NIN = 163842
F = 256
NB = 16
NB7 = NB * 7
NWORKERS = 32
CHUNKS = NODES // NB
CPW = CHUNKS // NWORKERS
TAIL = NODES - CHUNKS * NB
TAIL7 = TAIL * 7
IDXPAD = NODES * 7 + NB7


def _pool_kernel(x_hbm, idx_hbm, out_hbm, idx0, idx1, g0, g1, out_v, sem0, sem1):
    wid = lax.axis_index("s") * 2 + lax.axis_index("c")
    lane = lax.broadcasted_iota(jnp.int32, (16,), 0)
    zero16 = jnp.zeros((16,), jnp.int32)
    l7 = lane * 7
    base_ci = wid * CPW
    idxs = (idx0, idx1)
    gs = (g0, g1)
    sems = (sem0, sem1)

    def start_gather(ci, p):
        pltpu.sync_copy(idx_hbm.at[pl.ds(ci * NB7, NB7)], idxs[p])
        pltpu.async_copy(x_hbm.at[idxs[p]], gs[p], sems[p])

    def wait_gather(p):
        pltpu.make_async_copy(x_hbm.at[idxs[p]], gs[p], sems[p]).wait()

    def pooled_block(g_v, nodes, ci):
        @plsc.parallel_loop(0, nodes * 16, unroll=8)
        def fj_loop(i2):
            base = l7 + i2 * 112
            acc0 = plsc.load_gather(g_v, [zero16, base])
            acc1 = plsc.load_gather(g_v, [zero16, base + 1])
            acc2 = plsc.load_gather(g_v, [zero16, base + 2])
            acc0 = acc0 + plsc.load_gather(g_v, [zero16, base + 3])
            acc1 = acc1 + plsc.load_gather(g_v, [zero16, base + 4])
            acc2 = acc2 + plsc.load_gather(g_v, [zero16, base + 5])
            acc0 = acc0 + plsc.load_gather(g_v, [zero16, base + 6])
            b = lax.shift_right_logical(i2, 4)
            j = lax.bitwise_and(i2, 15)
            out_v[b, pl.ds(j * 16, 16)] = (acc0 + acc1 + acc2) * jnp.float32(
                1.0 / 7.0
            )

        pltpu.sync_copy(
            out_v.at[pl.ds(0, nodes)], out_hbm.at[pl.ds(ci * NB, nodes)]
        )

    start_gather(base_ci, 0)

    def pair_body(i, carry):
        ci = base_ci + 2 * i
        start_gather(ci + 1, 1)
        wait_gather(0)
        pooled_block(g0, NB, ci)
        start_gather(ci + 2, 0)
        wait_gather(1)
        pooled_block(g1, NB, ci + 1)
        return carry

    lax.fori_loop(0, CPW // 2, pair_body, 0)
    wait_gather(0)

    @pl.when(wid == NWORKERS - 1)
    def _():
        pltpu.sync_copy(
            idx_hbm.at[pl.ds(CHUNKS * NB7, TAIL7)], idx0.at[pl.ds(0, TAIL7)]
        )
        pltpu.async_copy(
            x_hbm.at[idx0.at[pl.ds(0, TAIL7)]], g0.at[pl.ds(0, TAIL7)], sem0
        ).wait()
        pooled_block(g0, TAIL, CHUNKS)


@jax.jit
def _pool(x, idx):
    mesh = plsc.VectorSubcoreMesh(core_axis_name="c", subcore_axis_name="s")
    kfn = functools.partial(
        pl.kernel,
        mesh=mesh,
        out_type=jax.ShapeDtypeStruct((NODES, F), jnp.float32),
        scratch_types=[
            pltpu.VMEM((NB7,), jnp.int32),
            pltpu.VMEM((NB7,), jnp.int32),
            pltpu.VMEM((NB7, F), jnp.float32),
            pltpu.VMEM((NB7, F), jnp.float32),
            pltpu.VMEM((NB, F), jnp.float32),
            pltpu.SemaphoreType.DMA,
            pltpu.SemaphoreType.DMA,
        ],
        compiler_params=pltpu.CompilerParams(
            use_tc_tiling_on_sc=False, needs_layout_passes=False
        ),
    )(_pool_kernel)
    return kfn(x, idx)


def kernel(x, neigh_orders):
    idx = neigh_orders.astype(jnp.int32)
    idx = jnp.pad(idx, (0, IDXPAD - idx.shape[0]))
    return _pool(x, idx)

# --- scband reference (transcript-rebuilt; emitter-appended) ---
"""Pipeline reference for scband-pool-layer-13726715478122 (READ-ONLY COPY).

The authoritative reference and input builder live on the scoring server;
editing this copy changes nothing except your own understanding.
"""

import jax, jax.numpy as jnp
import numpy as np

NUM_NODES = 40962  # output nodes (icosahedral level 6)
N_IN = 163842      # input nodes (icosahedral level 7)
FEAT = 256

def setup_inputs(seed: int = 0) -> dict:
    key = jax.random.key(seed)
    k1, k2 = jax.random.split(key)
    x = jax.random.normal(k1, (N_IN, FEAT), dtype=jnp.float32)
    neigh_orders = jax.random.randint(k2, (NUM_NODES * 7,), 0, N_IN, dtype=jnp.int64)
    return {"x": x, "neigh_orders": neigh_orders}

def reference(x, neigh_orders):
    feat_num = x.shape[1]
    # Faithful to torch: gather rows then reshape (num_nodes, feat_num, 7) in row-major order
    gathered = jnp.take(x, neigh_orders[: NUM_NODES * 7], axis=0)  # [num_nodes*7, F]
    gathered = gathered.reshape(NUM_NODES, feat_num, 7)
    out = jnp.mean(gathered, axis=2)
    assert out.shape == (NUM_NODES, feat_num)
    return out

if __name__ == "__main__":
    import jax
    _d = setup_inputs()
    print(jax.jit(kernel)(*tuple(_d.values())))

</pallas_src>

<mosaic_0001>
#map = affine_map<(d0, d1) -> (0, 0)>
#map1 = affine_map<(d0, d1) -> (0)>
module attributes {stable_mosaic.version = 14 : i64} {
  func.func @_pool_kernel(%arg0: i32, %arg1: i32, %arg2: memref<163842x256xf32, #tpu.memory_space<hbm>>, %arg3: memref<286846xi32, #tpu.memory_space<hbm>>, %arg4: memref<40962x256xf32, #tpu.memory_space<hbm>>, %arg5: memref<112xi32, #tpu.memory_space<vmem>>, %arg6: memref<112xi32, #tpu.memory_space<vmem>>, %arg7: memref<112x256xf32, #tpu.memory_space<vmem>>, %arg8: memref<112x256xf32, #tpu.memory_space<vmem>>, %arg9: memref<16x256xf32, #tpu.memory_space<vmem>>, %arg10: memref<!tpu.dma_semaphore, #tpu.memory_space<semaphore_mem>>, %arg11: memref<!tpu.dma_semaphore, #tpu.memory_space<semaphore_mem>>) attributes {dimension_semantics = [#tpu.dimension_semantics<core_parallel>, #tpu.dimension_semantics<subcore_parallel>], iteration_bounds = array<i64: 2, 16>, scalar_prefetch = 0 : i64, scratch_operands = 7 : i64, tpu.core_type = #tpu.core_type<sc_vector_subcore>, window_params = [{transform_indices = #map}, {transform_indices = #map1}, {transform_indices = #map}]} {
    %mul3A = arith.constant 2 : i32
    %mul3A_0 = arith.muli %arg1, %mul3A : i32
    %add3A = arith.addi %mul3A_0, %arg0 : i32
    %iota3A = tpu.iota {dimensions = array<i32: 0>} : vector<16xi32>
    %broadcast_in_dim3A = arith.constant 0 : i32
    %broadcast_in_dim3A_1 = vector.broadcast %broadcast_in_dim3A : i32 to vector<16xi32>
    %mul3A_2 = arith.constant 7 : i32
    %mul3A_3 = vector.broadcast %mul3A_2 : i32 to vector<16xi32>
    %mul3A_4 = arith.muli %iota3A, %mul3A_3 : vector<16xi32>
    %mul3A_5 = arith.constant 80 : i32
    %mul3A_6 = arith.muli %add3A, %mul3A_5 : i32
    %mul3A_7 = arith.constant 112 : i32
    %mul3A_8 = arith.muli %mul3A_6, %mul3A_7 : i32
    "tpu.region"() ({
      %run_scoped3A = tpu.sem_alloc : memref<!tpu.dma_semaphore, #tpu.memory_space<semaphore_mem>>
      %dma_start3A_20 = tpu.memref_slice %arg3[%mul3A_8] : memref<286846xi32, #tpu.memory_space<hbm>> -> memref<112xi32, #tpu.memory_space<hbm>>
      %dma_start3A_21 = tpu.memref_slice %arg3[%mul3A_8] : memref<286846xi32, #tpu.memory_space<hbm>> -> memref<112xi32, #tpu.memory_space<hbm>>
      tpu.enqueue_dma source(%dma_start3A_21 : memref<112xi32, #tpu.memory_space<hbm>>) target(%arg5 : memref<112xi32, #tpu.memory_space<vmem>>) target_semaphore(%run_scoped3A : memref<!tpu.dma_semaphore, #tpu.memory_space<semaphore_mem>>)
      %dma_wait3A_22 = tpu.memref_slice %arg3[%mul3A_8] : memref<286846xi32, #tpu.memory_space<hbm>> -> memref<112xi32, #tpu.memory_space<hbm>>
      %dma_wait3A_23 = tpu.memref_slice %arg3[%mul3A_8] : memref<286846xi32, #tpu.memory_space<hbm>> -> memref<112xi32, #tpu.memory_space<hbm>>
      tpu.wait_dma2 semaphore(%run_scoped3A : memref<!tpu.dma_semaphore, #tpu.memory_space<semaphore_mem>>) src(%dma_wait3A_23 : memref<112xi32, #tpu.memory_space<hbm>>) dst(%arg5 : memref<112xi32, #tpu.memory_space<vmem>>)
      tpu.yield
    }) : () -> ()
    %dma_start3A = arith.constant 0 : i32
    %dma_start3A_9 = arith.constant 0 : i32
    %dma_start3A_10 = tpu.memref_slice %arg2[%dma_start3A, %dma_start3A_9] : memref<163842x256xf32, #tpu.memory_space<hbm>> -> memref<163842x256xf32, #tpu.memory_space<hbm>>
    tpu.enqueue_indirect_dma source(%dma_start3A_10 : memref<163842x256xf32, #tpu.memory_space<hbm>>) target(%arg7 : memref<112x256xf32, #tpu.memory_space<vmem>>) offsets(%arg5 : memref<112xi32, #tpu.memory_space<vmem>>) semaphore(%arg10 : memref<!tpu.dma_semaphore, #tpu.memory_space<semaphore_mem>>)
    %scan3A = arith.constant 0 : i32
    %scan3A_11 = arith.constant 0 : i32
    %scan3A_12 = arith.constant 40 : i32
    %scan3A_13 = arith.addi %scan3A_11, %scan3A_12 : i32
    %scan3A_14 = arith.constant 1 : i32
    scf.for %scan3A_20 = %scan3A_11 to %scan3A_13 step %scan3A_14  : i32 {
      %mul3A_21 = arith.constant 2 : i32
      %mul3A_22 = arith.muli %mul3A_21, %scan3A_20 : i32
      %add3A_23 = arith.addi %mul3A_6, %mul3A_22 : i32
      %add3A_24 = arith.constant 1 : i32
      %add3A_25 = arith.addi %add3A_23, %add3A_24 : i32
      %mul3A_26 = arith.constant 112 : i32
      %mul3A_27 = arith.muli %add3A_25, %mul3A_26 : i32
      "tpu.region"() ({
        %run_scoped3A = tpu.sem_alloc : memref<!tpu.dma_semaphore, #tpu.memory_space<semaphore_mem>>
        %dma_start3A_55 = tpu.memref_slice %arg3[%mul3A_27] : memref<286846xi32, #tpu.memory_space<hbm>> -> memref<112xi32, #tpu.memory_space<hbm>>
        %dma_start3A_56 = tpu.memref_slice %arg3[%mul3A_27] : memref<286846xi32, #tpu.memory_space<hbm>> -> memref<112xi32, #tpu.memory_space<hbm>>
        tpu.enqueue_dma source(%dma_start3A_56 : memref<112xi32, #tpu.memory_space<hbm>>) target(%arg6 : memref<112xi32, #tpu.memory_space<vmem>>) target_semaphore(%run_scoped3A : memref<!tpu.dma_semaphore, #tpu.memory_space<semaphore_mem>>)
        %dma_wait3A_57 = tpu.memref_slice %arg3[%mul3A_27] : memref<286846xi32, #tpu.memory_space<hbm>> -> memref<112xi32, #tpu.memory_space<hbm>>
        %dma_wait3A_58 = tpu.memref_slice %arg3[%mul3A_27] : memref<286846xi32, #tpu.memory_space<hbm>> -> memref<112xi32, #tpu.memory_space<hbm>>
        tpu.wait_dma2 semaphore(%run_scoped3A : memref<!tpu.dma_semaphore, #tpu.memory_space<semaphore_mem>>) src(%dma_wait3A_58 : memref<112xi32, #tpu.memory_space<hbm>>) dst(%arg6 : memref<112xi32, #tpu.memory_space<vmem>>)
        tpu.yield
      }) : () -> ()
      %dma_start3A_28 = arith.constant 0 : i32
      %dma_start3A_29 = arith.constant 0 : i32
      %dma_start3A_30 = tpu.memref_slice %arg2[%dma_start3A_28, %dma_start3A_29] : memref<163842x256xf32, #tpu.memory_space<hbm>> -> memref<163842x256xf32, #tpu.memory_space<hbm>>
      tpu.enqueue_indirect_dma source(%dma_start3A_30 : memref<163842x256xf32, #tpu.memory_space<hbm>>) target(%arg8 : memref<112x256xf32, #tpu.memory_space<vmem>>) offsets(%arg6 : memref<112xi32, #tpu.memory_space<vmem>>) semaphore(%arg11 : memref<!tpu.dma_semaphore, #tpu.memory_space<semaphore_mem>>)
      %dma_wait3A_31 = arith.constant 0 : i32
      %dma_wait3A_32 = arith.constant 0 : i32
      %dma_wait3A_33 = tpu.memref_slice %arg2[%dma_wait3A_31, %dma_wait3A_32] : memref<163842x256xf32, #tpu.memory_space<hbm>> -> memref<163842x256xf32, #tpu.memory_space<hbm>>
      tpu.wait_indirect_dma semaphore(%arg10 : memref<!tpu.dma_semaphore, #tpu.memory_space<semaphore_mem>>) src(%dma_wait3A_33 : memref<163842x256xf32, #tpu.memory_space<hbm>>) dst(%arg7 : memref<112x256xf32, #tpu.memory_space<vmem>>)
      %parallel_loop3A = arith.constant 0 : i32
      %parallel_loop3A_34 = arith.constant 256 : i32
      %parallel_loop3A_35 = arith.constant 1 : i32
      scf.for %parallel_loop3A_55 = %parallel_loop3A to %parallel_loop3A_34 step %parallel_loop3A_35  : i32 {
        %parallel_loop3A_56 = arith.constant 112 : i32
        %parallel_loop3A_57 = arith.muli %parallel_loop3A_55, %parallel_loop3A_56 : i32
        %parallel_loop3A_58 = vector.broadcast %parallel_loop3A_57 : i32 to vector<16xi32>
        %parallel_loop3A_59 = arith.addi %mul3A_4, %parallel_loop3A_58 : vector<16xi32>
        %parallel_loop3A_60 = tpu.vector_load_idx %arg7[%broadcast_in_dim3A_1, %parallel_loop3A_59] : memref<112x256xf32, #tpu.memory_space<vmem>>[vector<16xi32>, vector<16xi32>], vector<16xf32>,
        %parallel_loop3A_61 = arith.constant 1 : i32
        %parallel_loop3A_62 = vector.broadcast %parallel_loop3A_61 : i32 to vector<16xi32>
        %parallel_loop3A_63 = arith.addi %parallel_loop3A_59, %parallel_loop3A_62 : vector<16xi32>
        %parallel_loop3A_64 = tpu.vector_load_idx %arg7[%broadcast_in_dim3A_1, %parallel_loop3A_63] : memref<112x256xf32, #tpu.memory_space<vmem>>[vector<16xi32>, vector<16xi32>], vector<16xf32>,
        %parallel_loop3A_65 = arith.constant 2 : i32
        %parallel_loop3A_66 = vector.broadcast %parallel_loop3A_65 : i32 to vector<16xi32>
        %parallel_loop3A_67 = arith.addi %parallel_loop3A_59, %parallel_loop3A_66 : vector<16xi32>
        %parallel_loop3A_68 = tpu.vector_load_idx %arg7[%broadcast_in_dim3A_1, %parallel_loop3A_67] : memref<112x256xf32, #tpu.memory_space<vmem>>[vector<16xi32>, vector<16xi32>], vector<16xf32>,
        %parallel_loop3A_69 = arith.constant 3 : i32
        %parallel_loop3A_70 = vector.broadcast %parallel_loop3A_69 : i32 to vector<16xi32>
        %parallel_loop3A_71 = arith.addi %parallel_loop3A_59, %parallel_loop3A_70 : vector<16xi32>
        %parallel_loop3A_72 = tpu.vector_load_idx %arg7[%broadcast_in_dim3A_1, %parallel_loop3A_71] : memref<112x256xf32, #tpu.memory_space<vmem>>[vector<16xi32>, vector<16xi32>], vector<16xf32>,
        %parallel_loop3A_73 = arith.addf %parallel_loop3A_60, %parallel_loop3A_72 : vector<16xf32>
        %parallel_loop3A_74 = arith.constant 4 : i32
        %parallel_loop3A_75 = vector.broadcast %parallel_loop3A_74 : i32 to vector<16xi32>
        %parallel_loop3A_76 = arith.addi %parallel_loop3A_59, %parallel_loop3A_75 : vector<16xi32>
        %parallel_loop3A_77 = tpu.vector_load_idx %arg7[%broadcast_in_dim3A_1, %parallel_loop3A_76] : memref<112x256xf32, #tpu.memory_space<vmem>>[vector<16xi32>, vector<16xi32>], vector<16xf32>,
        %parallel_loop3A_78 = arith.addf %parallel_loop3A_64, %parallel_loop3A_77 : vector<16xf32>
        %parallel_loop3A_79 = arith.constant 5 : i32
        %parallel_loop3A_80 = vector.broadcast %parallel_loop3A_79 : i32 to vector<16xi32>
        %parallel_loop3A_81 = arith.addi %parallel_loop3A_59, %parallel_loop3A_80 : vector<16xi32>
        %parallel_loop3A_82 = tpu.vector_load_idx %arg7[%broadcast_in_dim3A_1, %parallel_loop3A_81] : memref<112x256xf32, #tpu.memory_space<vmem>>[vector<16xi32>, vector<16xi32>], vector<16xf32>,
        %parallel_loop3A_83 = arith.addf %parallel_loop3A_68, %parallel_loop3A_82 : vector<16xf32>
        %parallel_loop3A_84 = arith.constant 6 : i32
        %parallel_loop3A_85 = vector.broadcast %parallel_loop3A_84 : i32 to vector<16xi32>
        %parallel_loop3A_86 = arith.addi %parallel_loop3A_59, %parallel_loop3A_85 : vector<16xi32>
        %parallel_loop3A_87 = tpu.vector_load_idx %arg7[%broadcast_in_dim3A_1, %parallel_loop3A_86] : memref<112x256xf32, #tpu.memory_space<vmem>>[vector<16xi32>, vector<16xi32>], vector<16xf32>,
        %parallel_loop3A_88 = arith.addf %parallel_loop3A_73, %parallel_loop3A_87 : vector<16xf32>
        %parallel_loop3A_89 = arith.constant 4 : i32
        %parallel_loop3A_90 = arith.shrui %parallel_loop3A_55, %parallel_loop3A_89 : i32
        %parallel_loop3A_91 = arith.constant 15 : i32
        %parallel_loop3A_92 = arith.andi %parallel_loop3A_55, %parallel_loop3A_91 : i32
        %parallel_loop3A_93 = arith.addf %parallel_loop3A_88, %parallel_loop3A_78 : vector<16xf32>
        %parallel_loop3A_94 = arith.addf %parallel_loop3A_93, %parallel_loop3A_83 : vector<16xf32>
        %parallel_loop3A_95 = arith.constant 0.142857149 : f32
        %parallel_loop3A_96 = vector.broadcast %parallel_loop3A_95 : f32 to vector<16xf32>
        %parallel_loop3A_97 = arith.mulf %parallel_loop3A_94, %parallel_loop3A_96 : vector<16xf32>
        %parallel_loop3A_98 = arith.constant 16 : i32
        %parallel_loop3A_99 = arith.muli %parallel_loop3A_92, %parallel_loop3A_98 : i32
        %parallel_loop3A_100 = arith.index_cast %parallel_loop3A_90 : i32 to index
        %parallel_loop3A_101 = arith.index_cast %parallel_loop3A_99 : i32 to index
        %parallel_loop3A_102 = tpu.vector_load %arg9[%parallel_loop3A_100, %parallel_loop3A_101] {strides = array<i32>} : memref<16x256xf32, #tpu.memory_space<vmem>>, vector<16xf32>,
        tpu.vector_store %arg9[%parallel_loop3A_100, %parallel_loop3A_101], %parallel_loop3A_97 {strides = array<i32>} : memref<16x256xf32, #tpu.memory_space<vmem>>, vector<16xf32>,
      } {sc.loop_unroll_factor = 8 : i64, sc.parallel_access}
      %mul3A_36 = arith.constant 16 : i32
      %mul3A_37 = arith.muli %add3A_23, %mul3A_36 : i32
      "tpu.region"() ({
        %run_scoped3A = tpu.sem_alloc : memref<!tpu.dma_semaphore, #tpu.memory_space<semaphore_mem>>
        %dma_start3A_55 = arith.constant 0 : i32
        %dma_start3A_56 = arith.constant 0 : i32
        %dma_start3A_57 = tpu.memref_slice %arg9[%dma_start3A_55, %dma_start3A_56] : memref<16x256xf32, #tpu.memory_space<vmem>> -> memref<16x256xf32, #tpu.memory_space<vmem>>
        %dma_start3A_58 = arith.constant 0 : i32
        %dma_start3A_59 = tpu.memref_slice %arg4[%mul3A_37, %dma_start3A_58] : memref<40962x256xf32, #tpu.memory_space<hbm>> -> memref<16x256xf32, #tpu.memory_space<hbm>>
        %dma_start3A_60 = arith.constant 0 : i32
        %dma_start3A_61 = tpu.memref_slice %arg4[%mul3A_37, %dma_start3A_60] : memref<40962x256xf32, #tpu.memory_space<hbm>> -> memref<16x256xf32, #tpu.memory_space<hbm>>
        %dma_start3A_62 = arith.constant 0 : i32
        %dma_start3A_63 = arith.constant 0 : i32
        %dma_start3A_64 = tpu.memref_slice %arg9[%dma_start3A_62, %dma_start3A_63] : memref<16x256xf32, #tpu.memory_space<vmem>> -> memref<16x256xf32, #tpu.memory_space<vmem>>
        tpu.enqueue_dma source(%dma_start3A_64 : memref<16x256xf32, #tpu.memory_space<vmem>>) target(%dma_start3A_61 : memref<16x256xf32, #tpu.memory_space<hbm>>) target_semaphore(%run_scoped3A : memref<!tpu.dma_semaphore, #tpu.memory_space<semaphore_mem>>)
        %dma_wait3A_65 = arith.constant 0 : i32
        %dma_wait3A_66 = arith.constant 0 : i32
        %dma_wait3A_67 = tpu.memref_slice %arg9[%dma_wait3A_65, %dma_wait3A_66] : memref<16x256xf32, #tpu.memory_space<vmem>> -> memref<16x256xf32, #tpu.memory_space<vmem>>
        %dma_wait3A_68 = arith.constant 0 : i32
        %dma_wait3A_69 = tpu.memref_slice %arg4[%mul3A_37, %dma_wait3A_68] : memref<40962x256xf32, #tpu.memory_space<hbm>> -> memref<16x256xf32, #tpu.memory_space<hbm>>
        %dma_wait3A_70 = arith.constant 0 : i32
        %dma_wait3A_71 = tpu.memref_slice %arg4[%mul3A_37, %dma_wait3A_70] : memref<40962x256xf32, #tpu.memory_space<hbm>> -> memref<16x256xf32, #tpu.memory_space<hbm>>
        %dma_wait3A_72 = arith.constant 0 : i32
        %dma_wait3A_73 = arith.constant 0 : i32
        %dma_wait3A_74 = tpu.memref_slice %arg9[%dma_wait3A_72, %dma_wait3A_73] : memref<16x256xf32, #tpu.memory_space<vmem>> -> memref<16x256xf32, #tpu.memory_space<vmem>>
        tpu.wait_dma2 semaphore(%run_scoped3A : memref<!tpu.dma_semaphore, #tpu.memory_space<semaphore_mem>>) src(%dma_wait3A_74 : memref<16x256xf32, #tpu.memory_space<vmem>>) dst(%dma_wait3A_71 : memref<16x256xf32, #tpu.memory_space<hbm>>)
        tpu.yield
      }) : () -> ()
      %add3A_38 = arith.constant 2 : i32
      %add3A_39 = arith.addi %add3A_23, %add3A_38 : i32
      %mul3A_40 = arith.constant 112 : i32
      %mul3A_41 = arith.muli %add3A_39, %mul3A_40 : i32
      "tpu.region"() ({
        %run_scoped3A = tpu.sem_alloc : memref<!tpu.dma_semaphore, #tpu.memory_space<semaphore_mem>>
        %dma_start3A_55 = tpu.memref_slice %arg3[%mul3A_41] : memref<286846xi32, #tpu.memory_space<hbm>> -> memref<112xi32, #tpu.memory_space<hbm>>
        %dma_start3A_56 = tpu.memref_slice %arg3[%mul3A_41] : memref<286846xi32, #tpu.memory_space<hbm>> -> memref<112xi32, #tpu.memory_space<hbm>>
        tpu.enqueue_dma source(%dma_start3A_56 : memref<112xi32, #tpu.memory_space<hbm>>) target(%arg5 : memref<112xi32, #tpu.memory_space<vmem>>) target_semaphore(%run_scoped3A : memref<!tpu.dma_semaphore, #tpu.memory_space<semaphore_mem>>)
        %dma_wait3A_57 = tpu.memref_slice %arg3[%mul3A_41] : memref<286846xi32, #tpu.memory_space<hbm>> -> memref<112xi32, #tpu.memory_space<hbm>>
        %dma_wait3A_58 = tpu.memref_slice %arg3[%mul3A_41] : memref<286846xi32, #tpu.memory_space<hbm>> -> memref<112xi32, #tpu.memory_space<hbm>>
        tpu.wait_dma2 semaphore(%run_scoped3A : memref<!tpu.dma_semaphore, #tpu.memory_space<semaphore_mem>>) src(%dma_wait3A_58 : memref<112xi32, #tpu.memory_space<hbm>>) dst(%arg5 : memref<112xi32, #tpu.memory_space<vmem>>)
        tpu.yield
      }) : () -> ()
      %dma_start3A_42 = arith.constant 0 : i32
      %dma_start3A_43 = arith.constant 0 : i32
      %dma_start3A_44 = tpu.memref_slice %arg2[%dma_start3A_42, %dma_start3A_43] : memref<163842x256xf32, #tpu.memory_space<hbm>> -> memref<163842x256xf32, #tpu.memory_space<hbm>>
      tpu.enqueue_indirect_dma source(%dma_start3A_44 : memref<163842x256xf32, #tpu.memory_space<hbm>>) target(%arg7 : memref<112x256xf32, #tpu.memory_space<vmem>>) offsets(%arg5 : memref<112xi32, #tpu.memory_space<vmem>>) semaphore(%arg10 : memref<!tpu.dma_semaphore, #tpu.memory_space<semaphore_mem>>)
      %dma_wait3A_45 = arith.constant 0 : i32
      %dma_wait3A_46 = arith.constant 0 : i32
      %dma_wait3A_47 = tpu.memref_slice %arg2[%dma_wait3A_45, %dma_wait3A_46] : memref<163842x256xf32, #tpu.memory_space<hbm>> -> memref<163842x256xf32, #tpu.memory_space<hbm>>
      tpu.wait_indirect_dma semaphore(%arg11 : memref<!tpu.dma_semaphore, #tpu.memory_space<semaphore_mem>>) src(%dma_wait3A_47 : memref<163842x256xf32, #tpu.memory_space<hbm>>) dst(%arg8 : memref<112x256xf32, #tpu.memory_space<vmem>>)
      %add3A_48 = arith.constant 1 : i32
      %add3A_49 = arith.addi %add3A_23, %add3A_48 : i32
      %parallel_loop3A_50 = arith.constant 0 : i32
      %parallel_loop3A_51 = arith.constant 256 : i32
      %parallel_loop3A_52 = arith.constant 1 : i32
      scf.for %parallel_loop3A_55 = %parallel_loop3A_50 to %parallel_loop3A_51 step %parallel_loop3A_52  : i32 {
        %parallel_loop3A_56 = arith.constant 112 : i32
        %parallel_loop3A_57 = arith.muli %parallel_loop3A_55, %parallel_loop3A_56 : i32
        %parallel_loop3A_58 = vector.broadcast %parallel_loop3A_57 : i32 to vector<16xi32>
        %parallel_loop3A_59 = arith.addi %mul3A_4, %parallel_loop3A_58 : vector<16xi32>
        %parallel_loop3A_60 = tpu.vector_load_idx %arg8[%broadcast_in_dim3A_1, %parallel_loop3A_59] : memref<112x256xf32, #tpu.memory_space<vmem>>[vector<16xi32>, vector<16xi32>], vector<16xf32>,
        %parallel_loop3A_61 = arith.constant 1 : i32
        %parallel_loop3A_62 = vector.broadcast %parallel_loop3A_61 : i32 to vector<16xi32>
        %parallel_loop3A_63 = arith.addi %parallel_loop3A_59, %parallel_loop3A_62 : vector<16xi32>
        %parallel_loop3A_64 = tpu.vector_load_idx %arg8[%broadcast_in_dim3A_1, %parallel_loop3A_63] : memref<112x256xf32, #tpu.memory_space<vmem>>[vector<16xi32>, vector<16xi32>], vector<16xf32>,
        %parallel_loop3A_65 = arith.constant 2 : i32
        %parallel_loop3A_66 = vector.broadcast %parallel_loop3A_65 : i32 to vector<16xi32>
        %parallel_loop3A_67 = arith.addi %parallel_loop3A_59, %parallel_loop3A_66 : vector<16xi32>
        %parallel_loop3A_68 = tpu.vector_load_idx %arg8[%broadcast_in_dim3A_1, %parallel_loop3A_67] : memref<112x256xf32, #tpu.memory_space<vmem>>[vector<16xi32>, vector<16xi32>], vector<16xf32>,
        %parallel_loop3A_69 = arith.constant 3 : i32
        %parallel_loop3A_70 = vector.broadcast %parallel_loop3A_69 : i32 to vector<16xi32>
        %parallel_loop3A_71 = arith.addi %parallel_loop3A_59, %parallel_loop3A_70 : vector<16xi32>
        %parallel_loop3A_72 = tpu.vector_load_idx %arg8[%broadcast_in_dim3A_1, %parallel_loop3A_71] : memref<112x256xf32, #tpu.memory_space<vmem>>[vector<16xi32>, vector<16xi32>], vector<16xf32>,
        %parallel_loop3A_73 = arith.addf %parallel_loop3A_60, %parallel_loop3A_72 : vector<16xf32>
        %parallel_loop3A_74 = arith.constant 4 : i32
        %parallel_loop3A_75 = vector.broadcast %parallel_loop3A_74 : i32 to vector<16xi32>
        %parallel_loop3A_76 = arith.addi %parallel_loop3A_59, %parallel_loop3A_75 : vector<16xi32>
        %parallel_loop3A_77 = tpu.vector_load_idx %arg8[%broadcast_in_dim3A_1, %parallel_loop3A_76] : memref<112x256xf32, #tpu.memory_space<vmem>>[vector<16xi32>, vector<16xi32>], vector<16xf32>,
        %parallel_loop3A_78 = arith.addf %parallel_loop3A_64, %parallel_loop3A_77 : vector<16xf32>
        %parallel_loop3A_79 = arith.constant 5 : i32
        %parallel_loop3A_80 = vector.broadcast %parallel_loop3A_79 : i32 to vector<16xi32>
        %parallel_loop3A_81 = arith.addi %parallel_loop3A_59, %parallel_loop3A_80 : vector<16xi32>
        %parallel_loop3A_82 = tpu.vector_load_idx %arg8[%broadcast_in_dim3A_1, %parallel_loop3A_81] : memref<112x256xf32, #tpu.memory_space<vmem>>[vector<16xi32>, vector<16xi32>], vector<16xf32>,
        %parallel_loop3A_83 = arith.addf %parallel_loop3A_68, %parallel_loop3A_82 : vector<16xf32>
        %parallel_loop3A_84 = arith.constant 6 : i32
        %parallel_loop3A_85 = vector.broadcast %parallel_loop3A_84 : i32 to vector<16xi32>
        %parallel_loop3A_86 = arith.addi %parallel_loop3A_59, %parallel_loop3A_85 : vector<16xi32>
        %parallel_loop3A_87 = tpu.vector_load_idx %arg8[%broadcast_in_dim3A_1, %parallel_loop3A_86] : memref<112x256xf32, #tpu.memory_space<vmem>>[vector<16xi32>, vector<16xi32>], vector<16xf32>,
        %parallel_loop3A_88 = arith.addf %parallel_loop3A_73, %parallel_loop3A_87 : vector<16xf32>
        %parallel_loop3A_89 = arith.constant 4 : i32
        %parallel_loop3A_90 = arith.shrui %parallel_loop3A_55, %parallel_loop3A_89 : i32
        %parallel_loop3A_91 = arith.constant 15 : i32
        %parallel_loop3A_92 = arith.andi %parallel_loop3A_55, %parallel_loop3A_91 : i32
        %parallel_loop3A_93 = arith.addf %parallel_loop3A_88, %parallel_loop3A_78 : vector<16xf32>
        %parallel_loop3A_94 = arith.addf %parallel_loop3A_93, %parallel_loop3A_83 : vector<16xf32>
        %parallel_loop3A_95 = arith.constant 0.142857149 : f32
        %parallel_loop3A_96 = vector.broadcast %parallel_loop3A_95 : f32 to vector<16xf32>
        %parallel_loop3A_97 = arith.mulf %parallel_loop3A_94, %parallel_loop3A_96 : vector<16xf32>
        %parallel_loop3A_98 = arith.constant 16 : i32
        %parallel_loop3A_99 = arith.muli %parallel_loop3A_92, %parallel_loop3A_98 : i32
        %parallel_loop3A_100 = arith.index_cast %parallel_loop3A_90 : i32 to index
        %parallel_loop3A_101 = arith.index_cast %parallel_loop3A_99 : i32 to index
        %parallel_loop3A_102 = tpu.vector_load %arg9[%parallel_loop3A_100, %parallel_loop3A_101] {strides = array<i32>} : memref<16x256xf32, #tpu.memory_space<vmem>>, vector<16xf32>,
        tpu.vector_store %arg9[%parallel_loop3A_100, %parallel_loop3A_101], %parallel_loop3A_97 {strides = array<i32>} : memref<16x256xf32, #tpu.memory_space<vmem>>, vector<16xf32>,
      } {sc.loop_unroll_factor = 8 : i64, sc.parallel_access}
      %mul3A_53 = arith.constant 16 : i32
      %mul3A_54 = arith.muli %add3A_49, %mul3A_53 : i32
      "tpu.region"() ({
        %run_scoped3A = tpu.sem_alloc : memref<!tpu.dma_semaphore, #tpu.memory_space<semaphore_mem>>
        %dma_start3A_55 = arith.constant 0 : i32
        %dma_start3A_56 = arith.constant 0 : i32
        %dma_start3A_57 = tpu.memref_slice %arg9[%dma_start3A_55, %dma_start3A_56] : memref<16x256xf32, #tpu.memory_space<vmem>> -> memref<16x256xf32, #tpu.memory_space<vmem>>
        %dma_start3A_58 = arith.constant 0 : i32
        %dma_start3A_59 = tpu.memref_slice %arg4[%mul3A_54, %dma_start3A_58] : memref<40962x256xf32, #tpu.memory_space<hbm>> -> memref<16x256xf32, #tpu.memory_space<hbm>>
        %dma_start3A_60 = arith.constant 0 : i32
        %dma_start3A_61 = tpu.memref_slice %arg4[%mul3A_54, %dma_start3A_60] : memref<40962x256xf32, #tpu.memory_space<hbm>> -> memref<16x256xf32, #tpu.memory_space<hbm>>
        %dma_start3A_62 = arith.constant 0 : i32
        %dma_start3A_63 = arith.constant 0 : i32
        %dma_start3A_64 = tpu.memref_slice %arg9[%dma_start3A_62, %dma_start3A_63] : memref<16x256xf32, #tpu.memory_space<vmem>> -> memref<16x256xf32, #tpu.memory_space<vmem>>
        tpu.enqueue_dma source(%dma_start3A_64 : memref<16x256xf32, #tpu.memory_space<vmem>>) target(%dma_start3A_61 : memref<16x256xf32, #tpu.memory_space<hbm>>) target_semaphore(%run_scoped3A : memref<!tpu.dma_semaphore, #tpu.memory_space<semaphore_mem>>)
        %dma_wait3A_65 = arith.constant 0 : i32
        %dma_wait3A_66 = arith.constant 0 : i32
        %dma_wait3A_67 = tpu.memref_slice %arg9[%dma_wait3A_65, %dma_wait3A_66] : memref<16x256xf32, #tpu.memory_space<vmem>> -> memref<16x256xf32, #tpu.memory_space<vmem>>
        %dma_wait3A_68 = arith.constant 0 : i32
        %dma_wait3A_69 = tpu.memref_slice %arg4[%mul3A_54, %dma_wait3A_68] : memref<40962x256xf32, #tpu.memory_space<hbm>> -> memref<16x256xf32, #tpu.memory_space<hbm>>
        %dma_wait3A_70 = arith.constant 0 : i32
        %dma_wait3A_71 = tpu.memref_slice %arg4[%mul3A_54, %dma_wait3A_70] : memref<40962x256xf32, #tpu.memory_space<hbm>> -> memref<16x256xf32, #tpu.memory_space<hbm>>
        %dma_wait3A_72 = arith.constant 0 : i32
        %dma_wait3A_73 = arith.constant 0 : i32
        %dma_wait3A_74 = tpu.memref_slice %arg9[%dma_wait3A_72, %dma_wait3A_73] : memref<16x256xf32, #tpu.memory_space<vmem>> -> memref<16x256xf32, #tpu.memory_space<vmem>>
        tpu.wait_dma2 semaphore(%run_scoped3A : memref<!tpu.dma_semaphore, #tpu.memory_space<semaphore_mem>>) src(%dma_wait3A_74 : memref<16x256xf32, #tpu.memory_space<vmem>>) dst(%dma_wait3A_71 : memref<16x256xf32, #tpu.memory_space<hbm>>)
        tpu.yield
      }) : () -> ()
    }
    %scan3A_15 = arith.constant 40 : i32
    %dma_wait3A = arith.constant 0 : i32
    %dma_wait3A_16 = arith.constant 0 : i32
    %dma_wait3A_17 = tpu.memref_slice %arg2[%dma_wait3A, %dma_wait3A_16] : memref<163842x256xf32, #tpu.memory_space<hbm>> -> memref<163842x256xf32, #tpu.memory_space<hbm>>
    tpu.wait_indirect_dma semaphore(%arg10 : memref<!tpu.dma_semaphore, #tpu.memory_space<semaphore_mem>>) src(%dma_wait3A_17 : memref<163842x256xf32, #tpu.memory_space<hbm>>) dst(%arg7 : memref<112x256xf32, #tpu.memory_space<vmem>>)
    %eq3A = arith.constant 31 : i32
    %eq3A_18 = arith.cmpi eq, %add3A, %eq3A : i32
    %convert_element_type3A = arith.extui %eq3A_18 : i1 to i32
    %cond3A = arith.constant 0 : i32
    %cond3A_19 = arith.cmpi ne, %convert_element_type3A, %cond3A : i32
    scf.if %cond3A_19 {
      "tpu.region"() ({
        %run_scoped3A = tpu.sem_alloc : memref<!tpu.dma_semaphore, #tpu.memory_space<semaphore_mem>>
        %dma_start3A_38 = arith.constant 0 : i32
        %dma_start3A_39 = tpu.memref_slice %arg5[%dma_start3A_38] : memref<112xi32, #tpu.memory_space<vmem>> -> memref<14xi32, #tpu.memory_space<vmem>>
        %dma_start3A_40 = arith.constant 286720 : i32
        %dma_start3A_41 = tpu.memref_slice %arg3[%dma_start3A_40] : memref<286846xi32, #tpu.memory_space<hbm>> -> memref<14xi32, #tpu.memory_space<hbm>>
        %dma_start3A_42 = arith.constant 0 : i32
        %dma_start3A_43 = tpu.memref_slice %arg5[%dma_start3A_42] : memref<112xi32, #tpu.memory_space<vmem>> -> memref<14xi32, #tpu.memory_space<vmem>>
        %dma_start3A_44 = arith.constant 286720 : i32
        %dma_start3A_45 = tpu.memref_slice %arg3[%dma_start3A_44] : memref<286846xi32, #tpu.memory_space<hbm>> -> memref<14xi32, #tpu.memory_space<hbm>>
        tpu.enqueue_dma source(%dma_start3A_45 : memref<14xi32, #tpu.memory_space<hbm>>) target(%dma_start3A_43 : memref<14xi32, #tpu.memory_space<vmem>>) target_semaphore(%run_scoped3A : memref<!tpu.dma_semaphore, #tpu.memory_space<semaphore_mem>>)
        %dma_wait3A_46 = arith.constant 0 : i32
        %dma_wait3A_47 = tpu.memref_slice %arg5[%dma_wait3A_46] : memref<112xi32, #tpu.memory_space<vmem>> -> memref<14xi32, #tpu.memory_space<vmem>>
        %dma_wait3A_48 = arith.constant 286720 : i32
        %dma_wait3A_49 = tpu.memref_slice %arg3[%dma_wait3A_48] : memref<286846xi32, #tpu.memory_space<hbm>> -> memref<14xi32, #tpu.memory_space<hbm>>
        %dma_wait3A_50 = arith.constant 0 : i32
        %dma_wait3A_51 = tpu.memref_slice %arg5[%dma_wait3A_50] : memref<112xi32, #tpu.memory_space<vmem>> -> memref<14xi32, #tpu.memory_space<vmem>>
        %dma_wait3A_52 = arith.constant 286720 : i32
        %dma_wait3A_53 = tpu.memref_slice %arg3[%dma_wait3A_52] : memref<286846xi32, #tpu.memory_space<hbm>> -> memref<14xi32, #tpu.memory_space<hbm>>
        tpu.wait_dma2 semaphore(%run_scoped3A : memref<!tpu.dma_semaphore, #tpu.memory_space<semaphore_mem>>) src(%dma_wait3A_53 : memref<14xi32, #tpu.memory_space<hbm>>) dst(%dma_wait3A_51 : memref<14xi32, #tpu.memory_space<vmem>>)
        tpu.yield
      }) : () -> ()
      %dma_start3A_20 = arith.constant 0 : i32
      %dma_start3A_21 = arith.constant 0 : i32
      %dma_start3A_22 = tpu.memref_slice %arg7[%dma_start3A_20, %dma_start3A_21] : memref<112x256xf32, #tpu.memory_space<vmem>> -> memref<14x256xf32, #tpu.memory_space<vmem>>
      %dma_start3A_23 = arith.constant 0 : i32
      %dma_start3A_24 = tpu.memref_slice %arg5[%dma_start3A_23] : memref<112xi32, #tpu.memory_space<vmem>> -> memref<14xi32, #tpu.memory_space<vmem>>
      %dma_start3A_25 = arith.constant 0 : i32
      %dma_start3A_26 = arith.constant 0 : i32
      %dma_start3A_27 = tpu.memref_slice %arg2[%dma_start3A_25, %dma_start3A_26] : memref<163842x256xf32, #tpu.memory_space<hbm>> -> memref<163842x256xf32, #tpu.memory_space<hbm>>
      tpu.enqueue_indirect_dma source(%dma_start3A_27 : memref<163842x256xf32, #tpu.memory_space<hbm>>) target(%dma_start3A_22 : memref<14x256xf32, #tpu.memory_space<vmem>>) offsets(%dma_start3A_24 : memref<14xi32, #tpu.memory_space<vmem>>) semaphore(%arg10 : memref<!tpu.dma_semaphore, #tpu.memory_space<semaphore_mem>>)
      %dma_wait3A_28 = arith.constant 0 : i32
      %dma_wait3A_29 = arith.constant 0 : i32
      %dma_wait3A_30 = tpu.memref_slice %arg7[%dma_wait3A_28, %dma_wait3A_29] : memref<112x256xf32, #tpu.memory_space<vmem>> -> memref<14x256xf32, #tpu.memory_space<vmem>>
      %dma_wait3A_31 = arith.constant 0 : i32
      %dma_wait3A_32 = tpu.memref_slice %arg5[%dma_wait3A_31] : memref<112xi32, #tpu.memory_space<vmem>> -> memref<14xi32, #tpu.memory_space<vmem>>
      %dma_wait3A_33 = arith.constant 0 : i32
      %dma_wait3A_34 = arith.constant 0 : i32
      %dma_wait3A_35 = tpu.memref_slice %arg2[%dma_wait3A_33, %dma_wait3A_34] : memref<163842x256xf32, #tpu.memory_space<hbm>> -> memref<163842x256xf32, #tpu.memory_space<hbm>>
      tpu.wait_indirect_dma semaphore(%arg10 : memref<!tpu.dma_semaphore, #tpu.memory_space<semaphore_mem>>) src(%dma_wait3A_35 : memref<163842x256xf32, #tpu.memory_space<hbm>>) dst(%dma_wait3A_30 : memref<14x256xf32, #tpu.memory_space<vmem>>)
      %parallel_loop3A = arith.constant 0 : i32
      %parallel_loop3A_36 = arith.constant 32 : i32
      %parallel_loop3A_37 = arith.constant 1 : i32
      scf.for %parallel_loop3A_38 = %parallel_loop3A to %parallel_loop3A_36 step %parallel_loop3A_37  : i32 {
        %parallel_loop3A_39 = arith.constant 112 : i32
        %parallel_loop3A_40 = arith.muli %parallel_loop3A_38, %parallel_loop3A_39 : i32
        %parallel_loop3A_41 = vector.broadcast %parallel_loop3A_40 : i32 to vector<16xi32>
        %parallel_loop3A_42 = arith.addi %mul3A_4, %parallel_loop3A_41 : vector<16xi32>
        %parallel_loop3A_43 = tpu.vector_load_idx %arg7[%broadcast_in_dim3A_1, %parallel_loop3A_42] : memref<112x256xf32, #tpu.memory_space<vmem>>[vector<16xi32>, vector<16xi32>], vector<16xf32>,
        %parallel_loop3A_44 = arith.constant 1 : i32
        %parallel_loop3A_45 = vector.broadcast %parallel_loop3A_44 : i32 to vector<16xi32>
        %parallel_loop3A_46 = arith.addi %parallel_loop3A_42, %parallel_loop3A_45 : vector<16xi32>
        %parallel_loop3A_47 = tpu.vector_load_idx %arg7[%broadcast_in_dim3A_1, %parallel_loop3A_46] : memref<112x256xf32, #tpu.memory_space<vmem>>[vector<16xi32>, vector<16xi32>], vector<16xf32>,
        %parallel_loop3A_48 = arith.constant 2 : i32
        %parallel_loop3A_49 = vector.broadcast %parallel_loop3A_48 : i32 to vector<16xi32>
        %parallel_loop3A_50 = arith.addi %parallel_loop3A_42, %parallel_loop3A_49 : vector<16xi32>
        %parallel_loop3A_51 = tpu.vector_load_idx %arg7[%broadcast_in_dim3A_1, %parallel_loop3A_50] : memref<112x256xf32, #tpu.memory_space<vmem>>[vector<16xi32>, vector<16xi32>], vector<16xf32>,
        %parallel_loop3A_52 = arith.constant 3 : i32
        %parallel_loop3A_53 = vector.broadcast %parallel_loop3A_52 : i32 to vector<16xi32>
        %parallel_loop3A_54 = arith.addi %parallel_loop3A_42, %parallel_loop3A_53 : vector<16xi32>
        %parallel_loop3A_55 = tpu.vector_load_idx %arg7[%broadcast_in_dim3A_1, %parallel_loop3A_54] : memref<112x256xf32, #tpu.memory_space<vmem>>[vector<16xi32>, vector<16xi32>], vector<16xf32>,
        %parallel_loop3A_56 = arith.addf %parallel_loop3A_43, %parallel_loop3A_55 : vector<16xf32>
        %parallel_loop3A_57 = arith.constant 4 : i32
        %parallel_loop3A_58 = vector.broadcast %parallel_loop3A_57 : i32 to vector<16xi32>
        %parallel_loop3A_59 = arith.addi %parallel_loop3A_42, %parallel_loop3A_58 : vector<16xi32>
        %parallel_loop3A_60 = tpu.vector_load_idx %arg7[%broadcast_in_dim3A_1, %parallel_loop3A_59] : memref<112x256xf32, #tpu.memory_space<vmem>>[vector<16xi32>, vector<16xi32>], vector<16xf32>,
        %parallel_loop3A_61 = arith.addf %parallel_loop3A_47, %parallel_loop3A_60 : vector<16xf32>
        %parallel_loop3A_62 = arith.constant 5 : i32
        %parallel_loop3A_63 = vector.broadcast %parallel_loop3A_62 : i32 to vector<16xi32>
        %parallel_loop3A_64 = arith.addi %parallel_loop3A_42, %parallel_loop3A_63 : vector<16xi32>
        %parallel_loop3A_65 = tpu.vector_load_idx %arg7[%broadcast_in_dim3A_1, %parallel_loop3A_64] : memref<112x256xf32, #tpu.memory_space<vmem>>[vector<16xi32>, vector<16xi32>], vector<16xf32>,
        %parallel_loop3A_66 = arith.addf %parallel_loop3A_51, %parallel_loop3A_65 : vector<16xf32>
        %parallel_loop3A_67 = arith.constant 6 : i32
        %parallel_loop3A_68 = vector.broadcast %parallel_loop3A_67 : i32 to vector<16xi32>
        %parallel_loop3A_69 = arith.addi %parallel_loop3A_42, %parallel_loop3A_68 : vector<16xi32>
        %parallel_loop3A_70 = tpu.vector_load_idx %arg7[%broadcast_in_dim3A_1, %parallel_loop3A_69] : memref<112x256xf32, #tpu.memory_space<vmem>>[vector<16xi32>, vector<16xi32>], vector<16xf32>,
        %parallel_loop3A_71 = arith.addf %parallel_loop3A_56, %parallel_loop3A_70 : vector<16xf32>
        %parallel_loop3A_72 = arith.constant 4 : i32
        %parallel_loop3A_73 = arith.shrui %parallel_loop3A_38, %parallel_loop3A_72 : i32
        %parallel_loop3A_74 = arith.constant 15 : i32
        %parallel_loop3A_75 = arith.andi %parallel_loop3A_38, %parallel_loop3A_74 : i32
        %parallel_loop3A_76 = arith.addf %parallel_loop3A_71, %parallel_loop3A_61 : vector<16xf32>
        %parallel_loop3A_77 = arith.addf %parallel_loop3A_76, %parallel_loop3A_66 : vector<16xf32>
        %parallel_loop3A_78 = arith.constant 0.142857149 : f32
        %parallel_loop3A_79 = vector.broadcast %parallel_loop3A_78 : f32 to vector<16xf32>
        %parallel_loop3A_80 = arith.mulf %parallel_loop3A_77, %parallel_loop3A_79 : vector<16xf32>
        %parallel_loop3A_81 = arith.constant 16 : i32
        %parallel_loop3A_82 = arith.muli %parallel_loop3A_75, %parallel_loop3A_81 : i32
        %parallel_loop3A_83 = arith.index_cast %parallel_loop3A_73 : i32 to index
        %parallel_loop3A_84 = arith.index_cast %parallel_loop3A_82 : i32 to index
        %parallel_loop3A_85 = tpu.vector_load %arg9[%parallel_loop3A_83, %parallel_loop3A_84] {strides = array<i32>} : memref<16x256xf32, #tpu.memory_space<vmem>>, vector<16xf32>,
        tpu.vector_store %arg9[%parallel_loop3A_83, %parallel_loop3A_84], %parallel_loop3A_80 {strides = array<i32>} : memref<16x256xf32, #tpu.memory_space<vmem>>, vector<16xf32>,
      } {sc.loop_unroll_factor = 8 : i64, sc.parallel_access}
      "tpu.region"() ({
        %run_scoped3A = tpu.sem_alloc : memref<!tpu.dma_semaphore, #tpu.memory_space<semaphore_mem>>
        %dma_start3A_38 = arith.constant 0 : i32
        %dma_start3A_39 = arith.constant 0 : i32
        %dma_start3A_40 = tpu.memref_slice %arg9[%dma_start3A_38, %dma_start3A_39] : memref<16x256xf32, #tpu.memory_space<vmem>> -> memref<2x256xf32, #tpu.memory_space<vmem>>
        %dma_start3A_41 = arith.constant 40960 : i32
        %dma_start3A_42 = arith.constant 0 : i32
        %dma_start3A_43 = tpu.memref_slice %arg4[%dma_start3A_41, %dma_start3A_42] : memref<40962x256xf32, #tpu.memory_space<hbm>> -> memref<2x256xf32, #tpu.memory_space<hbm>>
        %dma_start3A_44 = arith.constant 40960 : i32
        %dma_start3A_45 = arith.constant 0 : i32
        %dma_start3A_46 = tpu.memref_slice %arg4[%dma_start3A_44, %dma_start3A_45] : memref<40962x256xf32, #tpu.memory_space<hbm>> -> memref<2x256xf32, #tpu.memory_space<hbm>>
        %dma_start3A_47 = arith.constant 0 : i32
        %dma_start3A_48 = arith.constant 0 : i32
        %dma_start3A_49 = tpu.memref_slice %arg9[%dma_start3A_47, %dma_start3A_48] : memref<16x256xf32, #tpu.memory_space<vmem>> -> memref<2x256xf32, #tpu.memory_space<vmem>>
        tpu.enqueue_dma source(%dma_start3A_49 : memref<2x256xf32, #tpu.memory_space<vmem>>) target(%dma_start3A_46 : memref<2x256xf32, #tpu.memory_space<hbm>>) target_semaphore(%run_scoped3A : memref<!tpu.dma_semaphore, #tpu.memory_space<semaphore_mem>>)
        %dma_wait3A_50 = arith.constant 0 : i32
        %dma_wait3A_51 = arith.constant 0 : i32
        %dma_wait3A_52 = tpu.memref_slice %arg9[%dma_wait3A_50, %dma_wait3A_51] : memref<16x256xf32, #tpu.memory_space<vmem>> -> memref<2x256xf32, #tpu.memory_space<vmem>>
        %dma_wait3A_53 = arith.constant 40960 : i32
        %dma_wait3A_54 = arith.constant 0 : i32
        %dma_wait3A_55 = tpu.memref_slice %arg4[%dma_wait3A_53, %dma_wait3A_54] : memref<40962x256xf32, #tpu.memory_space<hbm>> -> memref<2x256xf32, #tpu.memory_space<hbm>>
        %dma_wait3A_56 = arith.constant 40960 : i32
        %dma_wait3A_57 = arith.constant 0 : i32
        %dma_wait3A_58 = tpu.memref_slice %arg4[%dma_wait3A_56, %dma_wait3A_57] : memref<40962x256xf32, #tpu.memory_space<hbm>> -> memref<2x256xf32, #tpu.memory_space<hbm>>
        %dma_wait3A_59 = arith.constant 0 : i32
        %dma_wait3A_60 = arith.constant 0 : i32
        %dma_wait3A_61 = tpu.memref_slice %arg9[%dma_wait3A_59, %dma_wait3A_60] : memref<16x256xf32, #tpu.memory_space<vmem>> -> memref<2x256xf32, #tpu.memory_space<vmem>>
        tpu.wait_dma2 semaphore(%run_scoped3A : memref<!tpu.dma_semaphore, #tpu.memory_space<semaphore_mem>>) src(%dma_wait3A_61 : memref<2x256xf32, #tpu.memory_space<vmem>>) dst(%dma_wait3A_58 : memref<2x256xf32, #tpu.memory_space<hbm>>)
        tpu.yield
      }) : () -> ()
    } else {
    }
    return
  }
}

</mosaic_0001>

<sc_bundles>
// kernel: _pool.3.cloned.1.call-start
scs
__scs_entry_jumppad:
0x0: {  	(pc) =	sbr.rel $0x88, $3  }
0x1: {  	(tag) =	ssettag $0x0;
	lr =	simm.s32 $0x1  }
0x2: {  	[smem:$0x3F9F] =	sst lr;
	_ =	strace $0xD0000000  }
0x3: {  	_ = 	snop  }
0x4: {  	_ = 	snop  }
0x5: {  	_ = 	snop  }
0x6: {  	_ = 	snop  }
0x7: {  	_ = 	snop  }
__scs_overlays_trampoline_lowered:
0x8: {  	[smem:$0x3FAE] =	sst s0  }
0x9: {  	[smem:$0x3FAF] =	sst s1  }
0xa: {  	[smem:$0x3FB0] =	sst s2  }
0xb: {  	[smem:$0x3FB1] =	sst s3  }
0xc: {  	[smem:$0x3FB2] =	sst s4  }
0xd: {  	[smem:$0x3FB3] =	sst s5  }
0xe: {  	[smem:$0x3FB4] =	sst s6  }
0xf: {  	[smem:$0x3FB5] =	sst s7  }
0x10: {  	[smem:$0x3FB6] =	sst s8  }
0x11: {  	[smem:$0x3FB7] =	sst s9;
	s0 =	simm.s32 @!p0 $0x0  }
0x12: {  	s1 =	sld [smem:$0x3F9D];
	s0 =	simm.s32 @p0 $0x1  }
0x13: {  	[smem:$0x3FB8] =	sst s0;
	s0 =	simm.s32 @!p1 $0x0  }
0x14: {  	s2 =	sld [smem:$0x3F9C];
	s0 =	simm.s32 @p1 $0x1  }
0x15: {  	[smem:$0x3FB9] =	sst s0;
	s0 =	simm.s32 @!p2 $0x0  }
0x16: {  	s3 =	sld [smem:$0x3FDB];
	s0 =	simm.s32 @p2 $0x1  }
0x17: {  	s4 =	simm.s32 $0x1BF5;
	[smem:$0x3FBB] =	sst s0  }
0x18: {  	s0 =	sld [smem:$0x3F9E];
	_ =	swait.ge [sflag:s4], $0x0  }
0x19: {  	s7 =	sld [smem:$0x3F9F]  }
0x1a: {  	s8 =	sadd.s32 $0xFFFFE003, lr  }
0x1b: {  	s9 =	sadd.s32 $0xFFFFFEF7, lr;
	s5 =	simm.s32 $0xFFFFFFFF;
	p2 =	slt.u32 s8, $0xFFFFF086  }
0x1c: {  	p1 =	slt.u32 s9, $0xF7A;
	s5 =	simm.s32 @!p2 $0x0  }
0x1d: {  	s5 =	simm.s32 @p1 $0x1;
	p0 =	seq.s32 s7, s2  }
0x1e: {  	s7 =	smul.u32 @!p0 $0xF7A, s2;
	p2 =	seq.s32 @!p0 s5, $0x0  }
0x1f: {  	s9 =	smul.u32 $0xF7A, s1;
	s8 =	simm.s32 @!p0 $0x1BF5;
	p2 =	por !p2, p0  }
0x20: {  	[sflag:s8] =	ssyncset.s32 @!p0 $0xFFFFF086;
	s6 =	sadd.s32 @!p0 s3, s7;
	s7 =	simm.s32 @!p0 $0x108  }
0x21: {  	s3 =	sadd.s32 s3, s9;
	s6 =	sadd.s32 @!p0 $0x88, s6;
	s7 =	simm.s32 @p2 $0x1082  }
0x22: {  	[simem:s7], [sflag:s8] =	dma.local @!p0 [hbm:s6], $0xF7A  }
0x23: {  	s9 =	sor.u32 $0xD0000000, s2;
	s6 =	simm.s32 $0x108;
	_ =	swait.ge @!p0 [sflag:s8], $0x0  }
0x24: {  	s3 =	sadd.s32 $0x88, s3;
	s6 =	simm.s32 @!p1 $0x1082;
	[sflag:s4] =	ssyncset.s32 $0xFFFFF086  }
0x25: {  	[simem:s6], [sflag:s4] =	dma.local [hbm:s3], $0xF7A  }
0x26: {  	[smem:$0x3F9F] =	sst s1;
	(tag) =	ssettag s2;
	_ =	strace s9  }
0x27: {  	s1 =	sld [smem:$0x3FAF]  }
0x28: {  	s2 =	sld [smem:$0x3FB0]  }
0x29: {  	s4 =	sld [smem:$0x3FB2]  }
0x2a: {  	p0 =	seq.s32 s5, $0x0;
	s5 =	sld [smem:$0x3FB3]  }
0x2b: {  	s6 =	sld [smem:$0x3FB4]  }
0x2c: {  	s7 =	sld [smem:$0x3FB5]  }
0x2d: {  	s3 =	simm.s32 $0x108;
	s8 =	sld [smem:$0x3FB6]  }
0x2e: {  	s3 =	simm.s32 @!p0 $0x1082;
	s9 =	sld [smem:$0x3FB7]  }
0x2f: {  	lr =	sadd.s32 s0, s3;
	s0 =	sld [smem:$0x3FAE]  }
0x30: {  	s3 =	sld [smem:$0x3FB1]  }
0x31: {  	[smem:$0x3FBA] =	sst s10  }
0x32: {  	s10 =	sld [smem:$0x3FB8];
	_ =	sdelay $0x3  }
0x33: {  	p0 =	seq.s32 s10, $0x1;
	s10 =	sld [smem:$0x3FBA];
	_ =	sdelay $0x3  }
0x34: {  	[smem:$0x3FBA] =	sst s10  }
0x35: {  	s10 =	sld [smem:$0x3FB9];
	_ =	sdelay $0x3  }
0x36: {  	p1 =	seq.s32 s10, $0x1;
	s10 =	sld [smem:$0x3FBA];
	_ =	sdelay $0x3  }
0x37: {  	[smem:$0x3FBA] =	sst s10  }
0x38: {  	s10 =	sld [smem:$0x3FBB]  }
0x39: {  	_ = 	snop;
	(pc) =	sbr.ind lr, $3  }
0x3a: {  	_ = 	snop  }
0x3b: {  	_ = 	snop  }
0x3c: {  	p2 =	seq.s32 s10, $0x1;
	s10 =	sld [smem:$0x3FBA]  }
0x3d: {  	_ =	shalt  }
0x3e: {  	_ =	shalt  }
0x3f: {  	_ =	shalt  }
0x40: {  	_ =	shalt  }
0x41: {  	_ =	shalt  }
0x42: {  	_ =	shalt  }
0x43: {  	_ =	shalt  }
0x44: {  	_ =	shalt  }
0x45: {  	_ =	shalt  }
0x46: {  	_ =	shalt  }
0x47: {  	_ =	shalt  }
0x48: {  	_ =	shalt  }
0x49: {  	_ =	shalt  }
0x4a: {  	_ =	shalt  }
0x4b: {  	_ =	shalt  }
0x4c: {  	_ =	shalt  }
0x4d: {  	_ =	shalt  }
0x4e: {  	_ =	shalt  }
0x4f: {  	_ =	shalt  }
0x50: {  	_ =	shalt  }
0x51: {  	_ =	shalt  }
0x52: {  	_ =	shalt  }
0x53: {  	_ =	shalt  }
0x54: {  	_ =	shalt  }
0x55: {  	_ =	shalt  }
0x56: {  	_ =	shalt  }
0x57: {  	_ =	shalt  }
0x58: {  	_ =	shalt  }
0x59: {  	_ =	shalt  }
0x5a: {  	_ =	shalt  }
0x5b: {  	_ =	shalt  }
0x5c: {  	_ =	shalt  }
0x5d: {  	_ =	shalt  }
0x5e: {  	_ =	shalt  }
0x5f: {  	_ =	shalt  }
0x60: {  	_ =	shalt  }
0x61: {  	_ =	shalt  }
0x62: {  	_ =	shalt  }
0x63: {  	_ =	shalt  }
0x64: {  	_ =	shalt  }
0x65: {  	_ =	shalt  }
0x66: {  	_ =	shalt  }
0x67: {  	_ =	shalt  }
0x68: {  	_ =	shalt  }
0x69: {  	_ =	shalt  }
0x6a: {  	_ =	shalt  }
0x6b: {  	_ =	shalt  }
0x6c: {  	_ =	shalt  }
0x6d: {  	_ =	shalt  }
0x6e: {  	_ =	shalt  }
0x6f: {  	_ =	shalt  }
0x70: {  	_ =	shalt  }
0x71: {  	_ =	shalt  }
0x72: {  	_ =	shalt  }
0x73: {  	_ =	shalt  }
0x74: {  	_ =	shalt  }
0x75: {  	_ =	shalt  }
0x76: {  	_ =	shalt  }
0x77: {  	_ =	shalt  }
0x78: {  	_ =	shalt  }
0x79: {  	_ =	shalt  }
0x7a: {  	_ =	shalt  }
0x7b: {  	_ =	shalt  }
0x7c: {  	_ =	shalt  }
0x7d: {  	_ =	shalt  }
0x7e: {  	_ =	shalt  }
0x7f: {  	_ =	shalt  }
0x80: {  	_ =	shalt  }
0x81: {  	_ =	shalt  }
0x82: {  	_ =	shalt  }
0x83: {  	_ =	shalt  }
0x84: {  	_ =	shalt  }
0x85: {  	_ =	shalt  }
0x86: {  	_ =	shalt  }
0x87: {  	_ =	shalt  }
.Lfunc_end0:
.L_simem_size_0:
called_computation_lowered:
.L_overlay_start_0:
0x88: {  	s2 =	sld [smem:$0x3FD9]  }
0x89: {  	s3 =	sld [smem:$0x3FFE];
	_ =	sdelay $0x1  }
0x8a: {  	s1 =	srdreg.scid  }
0x8b: {  	s0 =	sand.u32 $0x1, s1  }
0x8c: {  	s17 =	sshll.u32 s0, $0xA;
	s2 =	sadd.s32 s3, s2  }
0x8d: {  	s2 =	sadd.s32 s2, s17  }
0x8e: {  	[smem:$0x3FC6] =	sst s2  }
0x8f: {  	_ = 	snop  }
0x90: {  	s2 =	sld [smem:$0x3FC8];
	(tm) =	ssettm $0x1  }
0x91: {  	s18 =	sld [smem:$0x3FFB];
	_ =	sdelay $0x3  }
0x92: {  	_ =	strace s18  }
0x93: {  	s3 =	sld [smem:$0x3FFC];
	_ =	sdelay $0x3  }
0x94: {  	_ =	strace s3  }
0x95: {  	s3 =	sld [smem:$0x3FFD];
	_ =	sdelay $0x3  }
0x96: {  	_ =	strace s3  }
0x97: {  	_ =	strace $0x8FFFFFFF  }
0x98: {  	s19 =	sld [smem:$0x3FDB];
	_ =	sdelay $0x1  }
0x99: {  	s4 =	simm.s32 $_scs_section_size  }
0x9a: {  	s5 =	simm.s32 $_size__tile_overlayer_lowered;
	s6 =	simm.s32 $_tile_overlayer_lowered  }
0x9b: {  	s22 =	simm.s32 $0x1BFF;
	s21 =	sshll.u32 s6, $0x1;
	s3 =	sadd.s32 s4, s19  }
0x9c: {  	s7 =	simm.s32 $0x0;
	s20 =	sshll.u32 s5, $0x1;
	s5 =	sadd.s32 s21, s3  }
0x9d: {  	[timem:s7], [sflag:s22] =	dma.local [hbm:s5], s20  }
0x9e: {  	_ =	swait.ge [sflag:s22], s20  }
0x9f: {  	s4 =	ssub.s32 $0x0, s20;
	[sflag:s22] =	ssyncset.done $0x0  }
0xa0: {  	[sflag:s22] =	ssyncadd.s32 s4;
	_ =	sdelay $0x1  }
0xa1: {  	s23 =	simm.s32 $0x1B8B  }
0xa2: {  	_ =	swait.ge [sflag:s23], $0x1  }
0xa3: {  	[sflag:s23] =	ssyncset.done $0x0  }
0xa4: {  	s25 =	simm.s32 $0x1B8E;
	s24 =	sld [smem:$0x3FFE];
	[sflag:s23] =	ssyncadd.s32 $0xFFFFFFFF  }
0xa5: {  	s26 =	simm.s32 $execute0_lowered;
	[smem:$0x3FD2] =	sst s25  }
0xa6: {  	s5 =	sshll.u32 s26, $0x1;
	_ =	strace $0x80000046;
	[dreg:$0x1] =	wrdreg $0xFFFFFFFF  }
0xa7: {  	s28 =	simm.s32 $_size_execute0_lowered;
	s3 =	sadd.s32 s3, s5;
	[dreg:$0x0] =	wrdreg $0x0  }
0xa8: {  	s5 =	sshll.u32 s28, $0x1;
	[dreg:$0x2] =	wrdreg s3  }
0xa9: {  	[dreg:$0x3] =	wrdreg s5  }
0xaa: {  	[dreg:$0x4] =	wrdreg $0xC0  }
0xab: {  	_ =	task [dreg:s7], $0x5FFFF  }
0xac: {  	[dreg:$0x1] =	wrdreg $0xFFFFFFFF  }
0xad: {  	[dreg:$0x0] =	wrdreg $0x60  }
0xae: {  	[dreg:$0x2] =	wrdreg s24  }
0xaf: {  	[dreg:$0x3] =	wrdreg s2  }
0xb0: {  	[dreg:$0x4] =	wrdreg $0x9  }
0xb1: {  	_ =	task.clear_ibuf [dreg:s7], $0x5FFFF;
	_ =	strace $0x90000046  }
0xb2: {  	s29 =	simm.s32 $0x9;
	_ =	strace $0x80000048  }
0xb3: {  	_ =	swait.ge [sflag:s29], $0x1  }
0xb4: {  	[sflag:s29] =	ssyncadd.s32 $0xFFFFFFFF  }
0xb5: {  	_ =	strace $0x90000048  }
0xb6: {  	_ =	sfence  }
0xb7: {  	s30 =	sld [smem:$0x0];
	_ =	sdelay $0x2  }
0xb8: {  	s31 =	sshll.u32 s1, $0xD;
	s1 =	sshrl.u32 s1, $0x2  }
0xb9: {  	s3 =	sand.u32 $0x4000, s31;
	s1 =	sadd.s32 s1, s30  }
0xba: {  	s0 =	sor.u32 s3, s0;
	s1 =	sshll.u32 s1, $0x11  }
0xbb: {  	s0 =	sor.u32 s1, s0  }
0xbc: {  	s0 =	sadd.s32 $0x8F2B, s0  }
0xbd: {  	[sflag:s0] =	ssyncadd.remote.s32 $0x1  }
0xbe: {  	_ =	sfence.sel $0xFFFF  }
0xbf: {  	[dreg:$0x0] =	wrdreg $0xFFFFFFFF;
	(pc) =	sbr.abs _section_cstart, $3  }
0xc0: {  	[dreg:$0x1] =	wrdreg $0xFFFFFFFF  }
0xc1: {  	_ =	task.clear_ibuf [dreg:s7], $0x2FFFF;
	_ =	strace $0x9FFFFFFF  }
0xc2: {  	(tm) =	ssettm $0x7FFFFFFF  }
0xc3: {  	_ =	shalt  }
tec
execute0_lowered:
.L_overlay_start_1:
0x0: {  	(tag) =	ssettag $0x1  }
0x1: {  	v0 =	vlaneseq.u32  }
0x2: {  	s0 =	rddreg [dreg:$0x0];
	s31 =	simm.s32 $0x0;
	v52 =	vmul.u32 $0x7, v0  }
0x3: {  	[smem:$0x7FF] =	sst s31  }
0x4: {  	s2 =	rddreg [dreg:$0x1];
	v1 =	vimm.s32 $0x9ABCDEF8;
	_ =	strace $0x80000047;
	v63 =	vadd.s32 $0x1, v52;
	[tilespmem:$0x1FF10] =	vst v52  }
0x5: {  	v1 =	vunpack.c.l.s4.s8 v1;
	v54 =	vadd.s32 $0x3, v52;
	[tilespmem:$0x1FF30] =	vst v63  }
0x6: {  	v3 =	vimm.s32 $0x12345670;
	v0 =	vadd.s32 $0x4, v52;
	[tilespmem:$0x1FF40] =	vst v54  }
0x7: {  	v9 =	vimm.s32 $0x23456701;
	v53 =	vunpack.c.0.s8.s32 v1;
	v1 =	vadd.s32 $0x6, v52;
	[tilespmem:$0x1FFA0] =	vst v0  }
0x8: {  	v11 =	vimm.s32 $0x45670123;
	v8 =	vunpack.c.l.s4.s8 v3;
	v6 =	vadd.s32 $0x2, v52;
	[tilespmem:$0x1FFB0] =	vst v1  }
0x9: {  	s1 =	srdreg.scid;
	s3 =	stileid.u32;
	v10 =	vimm.s32 $0x34567012;
	v11 =	vunpack.c.l.s4.s8 v11;
	v7 =	vadd.s32 $0x5, v52;
	[tilespmem:$0x1FFE0] =	vst v6  }
0xa: {  	v13 =	vimm.s32 $0x67012345;
	s13 =	simm.s32 $0xE0;
	s1 =	sand.u32 $0x1, s1;
	s3 =	sshll.u32 s3, $0x1;
	v10 =	vunpack.c.l.s4.s8 v10;
	v55 =	vunpack.c.0.s8.s32 v8;
	[tilespmem:$0x1FFF0] =	vst v7  }
0xb: {  	v14 =	vimm.s32 $0x70123456;
	s4 =	sadd.s32 $0x400, s0;
	v13 =	vunpack.c.l.s4.s8 v13;
	s23 =	ssub.s32 $0x2, s1;
	s1 =	sor.u32 s1, s3;
	v56 =	vunpack.c.0.s8.s32 v11;
	[tilespmem:$0x1FF20] =	vst v53  }
0xc: {  	s24 =	sadd.s32 $0x500600, s0;
	v14 =	vunpack.c.l.s4.s8 v14;
	[dreg:$0x3] =	wrdreg s4;
	s5 =	smul.u32 $0x460, s1;
	v29 =	vunpack.c.0.s8.s32 v10;
	[tilespmem:$0x1FF50] =	vst v55  }
0xd: {  	v12 =	vimm.s32 $0x56701234;
	s28 =	sadd.s32 $0x8C00, s2;
	v9 =	vunpack.c.l.s4.s8 v9;
	[dreg:$0x4] =	wrdreg s24;
	s26 =	smul.u32 $0x50, s1;
	v32 =	vunpack.c.0.s8.s32 v13;
	[tilespmem:$0x1FF60] =	vst v56  }
.Ltmp0:
0xe: {  	s0 =	sadd.s32 $0x640600, s0;
	v12 =	vunpack.c.l.s4.s8 v12;
	[dreg:$0x6] =	wrdreg s28;
	v4 =	vunpack.c.0.s8.s32 v14;
	[tilespmem:$0x1FF70] =	vst v29;
	(pc) =	sbr.rel .LBB2_1-.Ltmp0, $4  }
0xf: {  	s14 =	simm.s32 $0x70E0;
	[dreg:$0x7] =	wrdreg s0;
	s25 =	sshrl.u32 s23, $0x1;
	v2 =	vunpack.c.0.s8.s32 v9;
	[tilespmem:$0x1FF80] =	vst v32  }
0x10: {  	v3 =	vunpack.c.0.s8.s32 v12;
	s3 =	ssub.s32 s23, s25;
	[dreg:$0x5] =	wrdreg s26;
	s29 =	sadd.s32 s2, s5;
	[tilespmem:$0x1FF90] =	vst v4  }
0x11: {  	p0 =	sne.s32 s1, $0x1F;
	s30 =	smax.u32 s3, $0x1;
	[tilespmem:$0x1FFC0] =	vst v2;
	[dreg:$0x8] =	wrdreg s29  }
0x12: {  	s1 =	simm.s32 $0x0;
	s2 =	simm.s32 $0x3;
	[tilespmem:$0x1FFD0] =	vst v3;
	[dreg:$0x9] =	wrdreg s30  }
.LBB2_11:
0x13: {  	s1 =	sadd.s32 $0x1, s1;
	s0 =	rddreg [dreg:$0x9]  }
0x14: {  	p1 =	sne.s32 s1, s0  }
.Ltmp1:
0x15: {  	_ = 	snop;
	(pc) =	sbr.rel @!p1 .LBB2_12-.Ltmp1, $1  }
0x16: {  	_ =	sdelay $0x3  }
.LBB2_1:
0x17: {  	[dreg:$0xa] =	wrdreg s1  }
0x18: {  	s0 =	rddreg [dreg:$0x8]  }
0x19: {  	[tilespmem:s31], [sflag:$0x3] =	stream.linear.gather [hbm4b:s0+s31], $0x70, $0x38;
	[tilespmem:$0xF0E0] =	vst v63  }
0x1a: {  	_ =	swait.ge [sflag:s2], $0x70  }
0x1b: {  	s30 =	simm.s32 $0x70;
	[sflag:s2] =	ssyncset.done $0x0  }
0x1c: {  	s20 =	simm.s32 $0x0;
	s29 =	rddreg [dreg:$0x3];
	[sflag:s2] =	ssyncadd.s32 $0xFFFFFF90  }
0x1d: {  	[tilespmem:s13], [sflag:$0x1] =	stream.indirect.gather [hbm4b:s29+s30], $0x100, s31, s30, $0xb8;
	[tilespmem:$0xF0E0] =	vst v63  }
.LBB2_2:
0x1e: {  	s24 =	simm.s32 $0x310  }
0x1f: {  	s5 =	simm.s32 $0x70;
	v16 =	vadd.s32 s24, v52  }
0x20: {  	s9 =	simm.s32 $0x2A0;
	s6 =	simm.s32 $0xE0;
	v15 =	vadd.s32 s24, v63;
	v17 =	vadd.s32 s24, v54;
	v18 =	vadd.s32 s5, v52  }
0x21: {  	v19 =	vadd.s32 s5, v54;
	v20 =	vadd.s32 s9, v63;
	v21 =	vadd.s32 s6, v52  }
0x22: {  	v22 =	vadd.s32 s9, v52;
	v23 =	vadd.s32 s9, v54;
	v24 =	vadd.s32 s9, v0  }
0x23: {  	s8 =	simm.s32 $0x150;
	s7 =	simm.s32 $0x1C0;
	v25 =	vadd.s32 s9, v1;
	v26 =	vadd.s32 s9, v6;
	v27 =	vadd.s32 s9, v7  }
0x24: {  	s3 =	simm.s32 $0x230;
	v28 =	vadd.s32 s6, v54;
	v30 =	vadd.s32 s8, v54;
	v31 =	vadd.s32 s7, v52  }
0x25: {  	s0 =	sshll.u32 s20, $0x1;
	s1 =	rddreg [dreg:$0x5];
	s12 =	simm.s32 $0x0;
	v49 =	vadd.s32 s7, v54;
	v33 =	vadd.s32 s3, v52;
	v34 =	vadd.s32 s3, v54  }
0x26: {  	s22 =	sadd.s32 s1, s0;
	v35 =	vor.u32 s12, v52;
	v57 =	vadd.s32 s6, v63;
	v58 =	vadd.s32 s6, v0  }
0x27: {  	v36 =	vadd.s32 s6, v1;
	v37 =	vadd.s32 s8, v63;
	v38 =	vadd.s32 s8, v0;
	s0 =	sor.u32 $0x1, s22  }
0x28: {  	v39 =	vadd.s32 s8, v1;
	v40 =	vadd.s32 s7, v63;
	v41 =	vadd.s32 s7, v0;
	[dreg:$0xb] =	wrdreg s0;
	s0 =	smul.u32 $0xE, s0  }
0x29: {  	s4 =	rddreg [dreg:$0x1];
	v42 =	vadd.s32 s7, v1;
	v43 =	vadd.s32 s3, v63;
	v44 =	vadd.s32 s3, v0  }
0x2a: {  	s23 =	simm.s32 $0x70;
	v45 =	vadd.s32 s3, v1;
	v46 =	vadd.s32 s24, v0;
	v47 =	vadd.s32 s24, v1;
	s0 =	sadd.s32 s4, s0  }
0x2b: {  	v48 =	vor.u32 s12, v63;
	v59 =	vadd.s32 s6, v7;
	v60 =	vadd.s32 s8, v6;
	[tilespmem:s23], [sflag:$0x3] =	stream.linear.gather [hbm4b:s0+s31], $0x70, $0x38;
	[tilespmem:$0xF0E0] =	vst v63  }
0x2c: {  	v61 =	vadd.s32 s7, v7;
	v20 =	vand.u32 $0xFFF8, v20;
	v22 =	vand.u32 $0xFFF8, v22;
	_ =	swait.ge [sflag:s2], $0x70  }
0x2d: {  	v23 =	vand.u32 $0xFFF8, v23;
	v24 =	vand.u32 $0xFFF8, v24;
	v25 =	vand.u32 $0xFFF8, v25;
	[sflag:s2] =	ssyncset.done $0x0  }
0x2e: {  	s11 =	simm.s32 $0x1;
	v26 =	vand.u32 $0xFFF8, v26;
	v27 =	vand.u32 $0xFFF8, v27;
	v20 =	vor.u32 v2, v20;
	s10 =	rddreg [dreg:$0x3];
	[sflag:s2] =	ssyncadd.s32 $0xFFFFFF90  }
0x2f: {  	v18 =	vand.u32 $0xFFF8, v18;
	v19 =	vand.u32 $0xFFF8, v19;
	v22 =	vor.u32 v55, v22;
	[tilespmem:s14], [sflag:$0x2] =	stream.indirect.gather [hbm4b:s10+s23], $0x100, s23, s23, $0xb8;
	[tilespmem:$0xF0E0] =	vst v63  }
0x30: {  	v21 =	vand.u32 $0xFFF8, v21;
	v28 =	vand.u32 $0xFFF8, v28;
	v23 =	vor.u32 v56, v23;
	_ =	swait.ge [sflag:s11], $0x7000  }
0x31: {  	v30 =	vand.u32 $0xFFF8, v30;
	v31 =	vand.u32 $0xFFF8, v31;
	v24 =	vor.u32 v3, v24;
	[sflag:s11] =	ssyncset.done $0x0  }
0x32: {  	v33 =	vand.u32 $0xFFF8, v33;
	v16 =	vand.u32 $0xFFF8, v16;
	v26 =	vor.u32 v29, v26;
	[sflag:s11] =	ssyncadd.s32 $0xFFFF9000  }
0x33: {  	v17 =	vand.u32 $0xFFF8, v17;
	v51 =	vand.u32 v53, v35;
	v21 =	vor.u32 v55, v21;
	v20 =	vld.idx.msk [tilespmem:v20+s13+$0x0], $0xffff  }
0x34: {  	v35 =	vand.u32 $0xFFF8, v58;
	v36 =	vand.u32 $0xFFF8, v36;
	v28 =	vor.u32 v56, v28;
	v22 =	vld.idx.msk [tilespmem:v22+s13+$0x0], $0xffff  }
0x35: {  	v37 =	vand.u32 $0xFFF8, v37;
	v38 =	vand.u32 $0xFFF8, v38;
	v16 =	vor.u32 v55, v16;
	v23 =	vld.idx.msk [tilespmem:v23+s13+$0x0], $0xffff  }
0x36: {  	v39 =	vand.u32 $0xFFF8, v39;
	v40 =	vand.u32 $0xFFF8, v40;
	v17 =	vor.u32 v56, v17;
	v24 =	vld.idx.msk [tilespmem:v24+s13+$0x0], $0xffff  }
0x37: {  	v41 =	vand.u32 $0xFFF8, v41;
	v42 =	vand.u32 $0xFFF8, v42;
	v37 =	vor.u32 v2, v37;
	v26 =	vld.idx.msk [tilespmem:v26+s13+$0x0], $0xffff  }
0x38: {  	v43 =	vand.u32 $0xFFF8, v43;
	v15 =	vand.u32 $0xFFF8, v15;
	v38 =	vor.u32 v3, v38;
	v21 =	vld.idx.msk [tilespmem:v21+s13+$0x0], $0xffff  }
0x39: {  	v44 =	vand.u32 $0xFFF8, v44;
	v46 =	vand.u32 $0xFFF8, v46;
	v15 =	vor.u32 v2, v15;
	v28 =	vld.idx.msk [tilespmem:v28+s13+$0x0], $0xffff  }
0x3a: {  	v45 =	vand.u32 $0xFFF8, v45;
	v47 =	vand.u32 $0xFFF8, v47;
	v46 =	vor.u32 v3, v46;
	v16 =	vld.idx.msk [tilespmem:v16+s13+$0x0], $0xffff  }
0x3b: {  	v5 =	vmovc v29;
	v25 =	vor.u32 v4, v25;
	v29 =	vadd.s32 s8, v52;
	v27 =	vor.u32 v32, v27;
	v17 =	vld.idx.msk [tilespmem:v17+s13+$0x0], $0xffff  }
0x3c: {  	v8 =	vmovc v32;
	v18 =	vor.u32 v55, v18;
	v32 =	vand.u32 $0xFFF8, v49;
	v49 =	vor.u32 s12, v0;
	v37 =	vld.idx.msk [tilespmem:v37+s13+$0x0], $0xffff  }
0x3d: {  	v19 =	vor.u32 v56, v19;
	v31 =	vor.u32 v55, v31;
	v35 =	vor.u32 v3, v35;
	v38 =	vld.idx.msk [tilespmem:v38+s13+$0x0], $0xffff  }
0x3e: {  	v36 =	vor.u32 v4, v36;
	v39 =	vor.u32 v4, v39;
	v40 =	vor.u32 v2, v40;
	v15 =	vld.idx.msk [tilespmem:v15+s13+$0x0], $0xffff  }
0x3f: {  	v41 =	vor.u32 v3, v41;
	v42 =	vor.u32 v4, v42;
	v43 =	vor.u32 v2, v43;
	v46 =	vld.idx.msk [tilespmem:v46+s13+$0x0], $0xffff  }
0x40: {  	v44 =	vor.u32 v3, v44;
	v45 =	vor.u32 v4, v45;
	v29 =	vand.u32 $0xFFF8, v29;
	s10 =	simm.s32 $0x4D0;
	v48 =	vld.idx.msk [tilespmem:v48+s13+$0x0], $0xffff  }
0x41: {  	v47 =	vor.u32 v4, v47;
	v29 =	vor.u32 v55, v29;
	v58 =	vadd.s32 s10, v52;
	v49 =	vld.idx.msk [tilespmem:v49+s13+$0x0], $0xffff  }
0x42: {  	v22 =	vadd.f32 v23, v22;
	v23 =	vor.u32 v56, v30;
	v30 =	vld.idx.msk [tilespmem:v18+s13+$0x0], $0xffff;
	v18 =	vand.u32 $0xFFF8, v34  }
0x43: {  	v27 =	vld.idx.msk [tilespmem:v27+s13+$0x0], $0xffff;
	v20 =	vadd.f32 v24, v20;
	v24 =	vor.u32 v56, v32;
	v34 =	vand.u32 $0xFFF8, v57  }
0x44: {  	v25 =	vld.idx.msk [tilespmem:v25+s13+$0x0], $0xffff;
	v21 =	vadd.f32 v28, v21;
	v28 =	vadd.s32 s5, v6;
	v16 =	vadd.f32 v17, v16  }
0x45: {  	s16 =	simm.s32 $0x620;
	v19 =	vld.idx.msk [tilespmem:v19+s13+$0x0], $0xffff;
	v17 =	vadd.s32 s7, v6;
	v62 =	vadd.f32 v38, v37;
	v15 =	vadd.f32 v46, v15  }
0x46: {  	s15 =	simm.s32 $0x460;
	v35 =	vld.idx.msk [tilespmem:v35+s13+$0x0], $0xffff;
	v46 =	vadd.f32 v49, v48;
	v48 =	vadd.s32 s16, v0;
	v49 =	vadd.s32 s16, v1  }
0x47: {  	v36 =	vld.idx.msk [tilespmem:v36+s13+$0x0], $0xffff;
	v57 =	vadd.s32 s15, v54;
	v38 =	vand.u32 $0xFFF8, v58;
	v58 =	vadd.s32 s10, v63  }
0x48: {  	v39 =	vld.idx.msk [tilespmem:v39+s13+$0x0], $0xffff;
	v50 =	vor.u32 v56, v18;
	v18 =	vadd.f32 v27, v26;
	v26 =	vor.u32 s12, v54  }
0x49: {  	v47 =	vld.idx.msk [tilespmem:v47+s13+$0x0], $0xffff;
	v27 =	vadd.s32 s5, v63;
	v34 =	vor.u32 v2, v34;
	v22 =	vadd.f32 v25, v22  }
0x4a: {  	v28 =	vand.u32 $0xFFF8, v28;
	v17 =	vand.u32 $0xFFF8, v17;
	v25 =	vor.u32 v55, v33;
	v33 =	vld.idx.msk [tilespmem:v51+s13+$0x0], $0xffff  }
0x4b: {  	v37 =	vand.u32 $0xFFF8, v57;
	v38 =	vor.u32 v55, v38;
	v20 =	vadd.f32 v22, v20;
	v22 =	vld.idx.msk [tilespmem:v29+s13+$0x0], $0xffff  }
0x4c: {  	v57 =	vadd.s32 s15, v1;
	v27 =	vand.u32 $0xFFF8, v27;
	v28 =	vor.u32 v5, v28;
	v23 =	vld.idx.msk [tilespmem:v23+s13+$0x0], $0xffff  }
0x4d: {  	v21 =	vadd.f32 v36, v21;
	v36 =	vand.u32 $0xFFF8, v61;
	v17 =	vor.u32 v5, v17;
	v24 =	vld.idx.msk [tilespmem:v24+s13+$0x0], $0xffff  }
0x4e: {  	s17 =	simm.s32 $0x540;
	v16 =	vadd.f32 v47, v16;
	v47 =	vadd.s32 s16, v54;
	v18 =	vadd.f32 v20, v18;
	v20 =	vld.idx.msk [tilespmem:v31+s13+$0x0], $0xffff  }
0x4f: {  	v51 =	vadd.s32 s16, v7;
	v61 =	vadd.s32 s17, v54;
	v29 =	vadd.s32 s5, v0;
	v32 =	vld.idx.msk [tilespmem:v50+s13+$0x0], $0xffff  }
0x50: {  	v37 =	vor.u32 v56, v37;
	v27 =	vor.u32 v2, v27;
	v29 =	vand.u32 $0xFFF8, v29;
	v26 =	vld.idx.msk [tilespmem:v26+s13+$0x0], $0xffff  }
0x51: {  	v19 =	vadd.f32 v19, v30;
	v30 =	vor.u32 s12, v1;
	v31 =	vadd.s32 s5, v1;
	v34 =	vld.idx.msk [tilespmem:v34+s13+$0x0], $0xffff  }
0x52: {  	v29 =	vor.u32 v3, v29;
	v50 =	vadd.s32 s16, v6;
	v25 =	vld.idx.msk [tilespmem:v25+s13+$0x0], $0xffff;
	v31 =	vand.u32 $0xFFF8, v31  }
0x53: {  	v40 =	vld.idx.msk [tilespmem:v40+s13+$0x0], $0xffff;
	v31 =	vor.u32 v4, v31;
	v18 =	vmul.f32 $1.428571490e-01, v18;
	v22 =	vadd.f32 v23, v22  }
0x54: {  	v41 =	vld.idx.msk [tilespmem:v41+s13+$0x0], $0xffff;
	v23 =	vadd.s32 s5, v7;
	v20 =	vadd.f32 v24, v20;
	v24 =	vadd.s32 s6, v6  }
0x55: {  	v42 =	vld.idx.msk [tilespmem:v42+s13+$0x0], $0xffff;
	v26 =	vadd.f32 v26, v33;
	v23 =	vand.u32 $0xFFF8, v23;
	v33 =	vand.u32 $0xFFF8, v59  }
0x56: {  	v43 =	vld.idx.msk [tilespmem:v43+s13+$0x0], $0xffff;
	v34 =	vadd.f32 v35, v34;
	v35 =	vand.u32 $0xFFF8, v50;
	v59 =	vadd.s32 s10, v54  }
0x57: {  	v44 =	vld.idx.msk [tilespmem:v44+s13+$0x0], $0xffff;
	v25 =	vadd.f32 v32, v25;
	v24 =	vand.u32 $0xFFF8, v24;
	v23 =	vor.u32 v8, v23  }
0x58: {  	v45 =	vld.idx.msk [tilespmem:v45+s13+$0x0], $0xffff;
	v32 =	vand.u32 $0xFFF8, v60;
	v33 =	vor.u32 v8, v33;
	v22 =	vadd.f32 v39, v22  }
0x59: {  	s9 =	simm.s32 $0x3F0;
	v27 =	vld.idx.msk [tilespmem:v27+s13+$0x0], $0xffff;
	v35 =	vor.u32 v5, v35;
	v60 =	vadd.s32 s17, v52;
	v39 =	vand.u32 $0xFFF8, v59  }
0x5a: {  	v30 =	vld.idx.msk [tilespmem:v30+s13+$0x0], $0xffff;
	v59 =	vadd.s32 s9, v63;
	v24 =	vor.u32 v5, v24;
	v20 =	vadd.f32 v42, v20  }
0x5b: {  	v29 =	vld.idx.msk [tilespmem:v29+s13+$0x0], $0xffff;
	v32 =	vor.u32 v5, v32;
	v42 =	vadd.f32 v41, v40;
	v34 =	vadd.f32 v21, v34  }
0x5c: {  	v40 =	vand.u32 $0xFFF8, v60;
	v41 =	vand.u32 $0xFFF8, v61;
	v50 =	vor.u32 v56, v39  }
0x5d: {  	s19 =	simm.s32 $0x5B0;
	v60 =	vadd.s32 s9, v0;
	v61 =	vadd.s32 s15, v63;
	v25 =	vadd.f32 v45, v25  }
0x5e: {  	v31 =	vld.idx.msk [tilespmem:v31+s13+$0x0], $0xffff;
	v45 =	vadd.f32 v44, v43;
	v22 =	vadd.f32 v22, v62;
	v62 =	vadd.s32 s19, v52  }
0x5f: {  	v40 =	vor.u32 v55, v40;
	v26 =	vadd.f32 v30, v26;
	v20 =	vadd.f32 v20, v42  }
0x60: {  	v28 =	vld.idx.msk [tilespmem:v28+s13+$0x0], $0xffff;
	v42 =	vand.u32 $0xFFF8, v62;
	v62 =	vadd.s32 s15, v0;
	v27 =	vadd.f32 v29, v27  }
0x61: {  	v17 =	vld.idx.msk [tilespmem:v17+s13+$0x0], $0xffff;
	v21 =	vadd.f32 v25, v45;
	v44 =	vand.u32 $0xFFF8, v62;
	v45 =	vand.u32 $0xFFF8, v57  }
0x62: {  	v62 =	vadd.s32 s17, v1;
	v29 =	vld.idx.msk [tilespmem:v23+s13+$0x0], $0xffff;
	v23 =	vor.u32 v8, v36;
	v36 =	vand.u32 $0xFFF8, v51  }
0x63: {  	v33 =	vld.idx.msk [tilespmem:v33+s13+$0x0], $0xffff;
	v51 =	vor.u32 v55, v42;
	v19 =	vadd.f32 v31, v19;
	v31 =	vadd.s32 s8, v7  }
0x64: {  	v42 =	vand.u32 $0xFFF8, v60;
	v24 =	vld.idx.msk [tilespmem:v24+s13+$0x0], $0xffff;
	v36 =	vor.u32 v8, v36;
	v31 =	vand.u32 $0xFFF8, v31  }
0x65: {  	v37 =	vld.idx.msk [tilespmem:v37+s13+$0x0], $0xffff;
	v45 =	vor.u32 v4, v45;
	v42 =	vor.u32 v3, v42;
	v31 =	vor.u32 v8, v31  }
0x66: {  	v19 =	vadd.f32 v19, v27;
	v27 =	vld.idx.msk [tilespmem:v32+s13+$0x0], $0xffff;
	v32 =	vand.u32 $0xFFF8, v47;
	v47 =	vadd.s32 s10, v0  }
0x67: {  	v32 =	vor.u32 v56, v32;
	v47 =	vand.u32 $0xFFF8, v47;
	v30 =	vld.idx.msk [tilespmem:v23+s13+$0x0], $0xffff;
	v23 =	vadd.f32 v26, v46  }
0x68: {  	v35 =	vld.idx.msk [tilespmem:v35+s13+$0x0], $0xffff;
	v25 =	vadd.f32 v29, v28;
	v29 =	vadd.s32 s16, v63;
	v46 =	vand.u32 $0xFFF8, v58  }
0x69: {  	s18 =	simm.s32 $0x690;
	v47 =	vor.u32 v3, v47;
	v28 =	vadd.f32 v33, v24;
	v24 =	vadd.f32 v16, v15;
	v36 =	vld.idx.msk [tilespmem:v36+s13+$0x0], $0xffff  }
0x6a: {  	v16 =	vadd.s32 s18, v52;
	v29 =	vand.u32 $0xFFF8, v29;
	v33 =	vand.u32 $0xFFF8, v48;
	v31 =	vld.idx.msk [tilespmem:v31+s13+$0x0], $0xffff  }
0x6b: {  	v45 =	vld.idx.msk [tilespmem:v45+s13+$0x0], $0xffff;
	v46 =	vor.u32 v2, v46;
	v26 =	vadd.f32 v19, v25;
	v16 =	vand.u32 $0xFFF8, v16  }
0x6c: {  	v42 =	vld.idx.msk [tilespmem:v42+s13+$0x0], $0xffff;
	v29 =	vor.u32 v2, v29;
	v33 =	vor.u32 v3, v33;
	v16 =	vor.u32 v55, v16  }
0x6d: {  	v32 =	vld.idx.msk [tilespmem:v32+s13+$0x0], $0xffff;
	v25 =	vadd.f32 v30, v17;
	v17 =	vadd.s32 s18, v54;
	v30 =	vadd.s32 s15, v52  }
0x6e: {  	v47 =	vld.idx.msk [tilespmem:v47+s13+$0x0], $0xffff;
	v30 =	vand.u32 $0xFFF8, v30;
	v17 =	vand.u32 $0xFFF8, v17;
	v35 =	vadd.f32 v36, v35  }
0x6f: {  	v36 =	vld.idx.msk [tilespmem:v38+s13+$0x0], $0xffff;
	v30 =	vor.u32 v55, v30;
	v15 =	vadd.f32 v31, v27;
	v31 =	vadd.s32 s16, v52  }
0x70: {  	v19 =	vadd.f32 v34, v28;
	v46 =	vld.idx.msk [tilespmem:v46+s13+$0x0], $0xffff;
	v17 =	vor.u32 v56, v17;
	v31 =	vand.u32 $0xFFF8, v31  }
0x71: {  	v28 =	vadd.s32 s9, v54;
	v34 =	vand.u32 $0xFFF8, v49;
	v29 =	vld.idx.msk [tilespmem:v29+s13+$0x0], $0xffff;
	v31 =	vor.u32 v55, v31  }
0x72: {  	v57 =	vadd.s32 s19, v1;
	v34 =	vor.u32 v4, v34;
	v28 =	vand.u32 $0xFFF8, v28;
	v33 =	vld.idx.msk [tilespmem:v33+s13+$0x0], $0xffff  }
0x73: {  	v28 =	vor.u32 v56, v28;
	v38 =	vand.u32 $0xFFF8, v59;
	v27 =	vadd.s32 s9, v52;
	v16 =	vld.idx.msk [tilespmem:v16+s13+$0x0], $0xffff  }
0x74: {  	v60 =	vadd.s32 s17, v63;
	v38 =	vor.u32 v2, v38;
	v27 =	vand.u32 $0xFFF8, v27;
	v30 =	vld.idx.msk [tilespmem:v30+s13+$0x0], $0xffff  }
0x75: {  	v44 =	vor.u32 v3, v44;
	v48 =	vadd.s32 s19, v54;
	v27 =	vor.u32 v55, v27;
	v17 =	vld.idx.msk [tilespmem:v17+s13+$0x0], $0xffff  }
0x76: {  	s7 =	simm.s32 $0x380;
	v58 =	vadd.s32 s19, v63;
	v43 =	vand.u32 $0xFFF8, v48;
	v59 =	vadd.s32 s10, v1;
	v31 =	vld.idx.msk [tilespmem:v31+s13+$0x0], $0xffff  }
0x77: {  	v49 =	vor.u32 s7, v52;
	v26 =	vmul.f32 $1.428571490e-01, v26;
	v48 =	vand.u32 $0xFFF8, v59;
	v34 =	vld.idx.msk [tilespmem:v34+s13+$0x0], $0xffff  }
0x78: {  	v59 =	vadd.s32 s19, v0;
	v22 =	vadd.f32 v22, v15;
	v15 =	vadd.s32 s18, v63;
	v28 =	vld.idx.msk [tilespmem:v28+s13+$0x0], $0xffff  }
0x79: {  	v48 =	vor.u32 v4, v48;
	v15 =	vand.u32 $0xFFF8, v15;
	v46 =	vadd.f32 v47, v46;
	v38 =	vld.idx.msk [tilespmem:v38+s13+$0x0], $0xffff  }
0x7a: {  	v15 =	vor.u32 v2, v15;
	v39 =	vld.idx.msk [tilespmem:v27+s13+$0x0], $0xffff;
	v27 =	vadd.f32 v33, v29;
	v30 =	vadd.f32 v37, v30  }
0x7b: {  	v37 =	vand.u32 $0xFFF8, v62;
	v16 =	vadd.f32 v17, v16;
	v31 =	vadd.f32 v32, v31  }
0x7c: {  	v40 =	vld.idx.msk [tilespmem:v40+s13+$0x0], $0xffff;
	v62 =	vor.u32 s7, v63;
	v37 =	vor.u32 v4, v37;
	v30 =	vadd.f32 v45, v30  }
0x7d: {  	v45 =	vadd.s32 s3, v6;
	v32 =	vld.idx.msk [tilespmem:v50+s13+$0x0], $0xffff;
	v29 =	vadd.f32 v34, v31;
	v31 =	vor.u32 v56, v41  }
0x7e: {  	v44 =	vld.idx.msk [tilespmem:v44+s13+$0x0], $0xffff;
	v38 =	vadd.f32 v42, v38;
	v45 =	vand.u32 $0xFFF8, v45;
	v34 =	vor.u32 v56, v43  }
0x7f: {  	v48 =	vld.idx.msk [tilespmem:v48+s13+$0x0], $0xffff;
	v28 =	vadd.f32 v28, v39;
	v45 =	vor.u32 v5, v45;
	v41 =	vand.u32 v53, v49  }
0x80: {  	v33 =	vld.idx.msk [tilespmem:v51+s13+$0x0], $0xffff;
	v43 =	vand.u32 $0xFFF8, v61;
	v61 =	vadd.s32 s17, v0;
	v49 =	vand.u32 $0xFFF8, v60  }
0x81: {  	v60 =	vadd.s32 s18, v1;
	v43 =	vor.u32 v2, v43;
	v37 =	vld.idx.msk [tilespmem:v37+s13+$0x0], $0xffff;
	v27 =	vadd.f32 v29, v27  }
0x82: {  	v39 =	vand.u32 $0xFFF8, v61;
	v29 =	vor.u32 s7, v54;
	v32 =	vadd.f32 v32, v36;
	v31 =	vld.idx.msk [tilespmem:v31+s13+$0x0], $0xffff  }
0x83: {  	v36 =	vand.u32 $0xFFF8, v57;
	v27 =	vadd.f32 v27, v35;
	v35 =	vadd.s32 s9, v1;
	v34 =	vld.idx.msk [tilespmem:v34+s13+$0x0], $0xffff  }
0x84: {  	v49 =	vor.u32 v2, v49;
	v36 =	vor.u32 v4, v36;
	v35 =	vand.u32 $0xFFF8, v35;
	v41 =	vld.idx.msk [tilespmem:v41+s13+$0x0], $0xffff  }
0x85: {  	v61 =	vadd.s32 s18, v0;
	v32 =	vadd.f32 v48, v32;
	v48 =	vld.idx.msk [tilespmem:v62+s13+$0x0], $0xffff;
	v35 =	vor.u32 v4, v35  }
0x86: {  	v39 =	vor.u32 v3, v39;
	v17 =	vand.u32 $0xFFF8, v61;
	v61 =	vor.u32 s7, v1;
	v43 =	vld.idx.msk [tilespmem:v43+s13+$0x0], $0xffff  }
0x87: {  	v17 =	vor.u32 v3, v17;
	v57 =	vadd.s32 s3, v7;
	v62 =	vadd.s32 s9, v7;
	v29 =	vld.idx.msk [tilespmem:v29+s13+$0x0], $0xffff  }
0x88: {  	v15 =	vld.idx.msk [tilespmem:v15+s13+$0x0], $0xffff;
	v32 =	vadd.f32 v32, v46;
	v31 =	vadd.f32 v31, v40;
	v40 =	vand.u32 $0xFFF8, v58  }
0x89: {  	v36 =	vld.idx.msk [tilespmem:v36+s13+$0x0], $0xffff;
	v33 =	vadd.f32 v34, v33;
	v34 =	vand.u32 $0xFFF8, v60;
	v58 =	vor.u32 s7, v0  }
0x8a: {  	v60 =	vadd.s32 s24, v7;
	v35 =	vld.idx.msk [tilespmem:v35+s13+$0x0], $0xffff;
	v40 =	vor.u32 v2, v40;
	v34 =	vor.u32 v4, v34  }
0x8b: {  	v39 =	vld.idx.msk [tilespmem:v39+s13+$0x0], $0xffff;
	v43 =	vadd.f32 v44, v43;
	v44 =	vand.u32 $0xFFF8, v60;
	v60 =	vadd.s32 s17, v6  }
0x8c: {  	v17 =	vld.idx.msk [tilespmem:v17+s13+$0x0], $0xffff;
	v29 =	vadd.f32 v29, v41;
	v41 =	vand.u32 $0xFFF8, v59;
	v31 =	vadd.f32 v37, v31  }
0x8d: {  	v47 =	vld.idx.msk [tilespmem:v61+s13+$0x0], $0xffff;
	v59 =	vadd.s32 s24, v6;
	v37 =	vand.u32 $0xFFF8, v57;
	v44 =	vor.u32 v8, v44  }
0x8e: {  	v57 =	vadd.s32 s15, v7;
	v41 =	vor.u32 v3, v41;
	v33 =	vadd.f32 v36, v33;
	v36 =	vld.idx.msk [tilespmem:v58+s13+$0x0], $0xffff  }
0x8f: {  	v42 =	vand.u32 $0xFFF8, v59;
	v37 =	vor.u32 v8, v37;
	v28 =	vadd.f32 v35, v28;
	v35 =	vld.idx.msk [tilespmem:v49+s13+$0x0], $0xffff  }
0x90: {  	v43 =	vadd.f32 v30, v43;
	v30 =	vadd.s32 s10, v6;
	v59 =	vadd.s32 s10, v7;
	v34 =	vld.idx.msk [tilespmem:v34+s13+$0x0], $0xffff  }
0x91: {  	v42 =	vor.u32 v5, v42;
	v30 =	vand.u32 $0xFFF8, v30;
	v40 =	vld.idx.msk [tilespmem:v40+s13+$0x0], $0xffff;
	v49 =	vadd.f32 v17, v15  }
0x92: {  	v15 =	vadd.s32 s15, v6;
	v17 =	vand.u32 $0xFFF8, v62;
	v62 =	vor.u32 v5, v30;
	v44 =	vld.idx.msk [tilespmem:v44+s13+$0x0], $0xffff  }
0x93: {  	v29 =	vadd.f32 v47, v29;
	v17 =	vor.u32 v8, v17;
	v15 =	vand.u32 $0xFFF8, v15;
	v41 =	vld.idx.msk [tilespmem:v41+s13+$0x0], $0xffff  }
0x94: {  	v28 =	vadd.f32 v28, v38;
	v38 =	vld.idx.msk [tilespmem:v45+s13+$0x0], $0xffff;
	v45 =	vand.u32 $0xFFF8, v57;
	v58 =	vor.u32 v5, v15  }
0x95: {  	v37 =	vld.idx.msk [tilespmem:v37+s13+$0x0], $0xffff;
	v45 =	vor.u32 v8, v45;
	v34 =	vadd.f32 v34, v16;
	v16 =	vadd.s32 s9, v6  }
0x96: {  	s21 =	simm.s32 $0x0;
	s25 =	simm.s32 $0x30;
	v42 =	vld.idx.msk [tilespmem:v42+s13+$0x0], $0xffff;
	v35 =	vadd.f32 v39, v35;
	v39 =	vor.u32 s12, v6;
	v16 =	vand.u32 $0xFFF8, v16  }
0x97: {  	s26 =	simm.s32 $0x60;
	s28 =	simm.s32 $0x8;
	s29 =	simm.s32 $0xF0;
	v61 =	vand.u32 $0xFFF8, v59;
	v30 =	vand.u32 $0xFFF8, v60;
	v46 =	vld.idx.msk [tilespmem:v62+s13+$0x0], $0xffff;
	v16 =	vor.u32 v5, v16  }
0x98: {  	s4 =	simm.s32 $0x20;
	s0 =	sand.u32 $0x80, s21;
	s5 =	sand.u32 $0xF00, s21;
	v36 =	vadd.f32 v36, v48;
	v51 =	vld.idx.msk [tilespmem:v17+s13+$0x0], $0xffff;
	v40 =	vadd.f32 v41, v40;
	v41 =	vor.u32 s12, v7  }
0x99: {  	s4 =	sand.u32 $0xA0, s4;
	s2 =	simm.s32 $0x40;
	s5 =	sor.u32 $0xE0E0, s5;
	v9 =	vadd.f32 v31, v35;
	v31 =	vadd.s32 s17, v7;
	v35 =	vor.u32 v8, v61;
	v58 =	vld.idx.msk [tilespmem:v58+s13+$0x0], $0xffff  }
0x9a: {  	s11 =	simm.s32 $0x50;
	s4 =	sadd.s32 s4, s5;
	v25 =	vadd.f32 v20, v25;
	s24 =	simm.s32 $0x10;
	v59 =	vor.u32 v5, v30;
	v31 =	vand.u32 $0xFFF8, v31;
	v45 =	vld.idx.msk [tilespmem:v45+s13+$0x0], $0xffff  }
0x9b: {  	s16 =	sand.u32 $0xF0, s23;
	s23 =	sadd.s32 s0, s5;
	s3 =	sand.u32 $0x90, s24;
	v11 =	vadd.f32 v29, v36;
	v29 =	vadd.s32 s19, v7;
	v31 =	vor.u32 v8, v31;
	v39 =	vld.idx.msk [tilespmem:v39+s13+$0x0], $0xffff  }
0x9c: {  	s24 =	sadd.s32 s16, s5;
	s3 =	sadd.s32 s3, s5;
	s15 =	sand.u32 $0xC0, s2;
	v60 =	vadd.s32 s18, v6;
	v57 =	vadd.s32 s19, v6;
	v29 =	vand.u32 $0xFFF8, v29;
	v50 =	vld.idx.msk [tilespmem:v16+s13+$0x0], $0xffff  }
0x9d: {  	s2 =	simm.s32 $0xB0;
	s9 =	sand.u32 $0xE0, s26;
	s26 =	sadd.s32 s15, s5;
	v62 =	vadd.s32 s18, v7;
	v30 =	vadd.f32 v34, v49;
	v29 =	vor.u32 v8, v29;
	v34 =	vld.idx.msk [tilespmem:v41+s13+$0x0], $0xffff  }
0x9e: {  	s18 =	simm.s32 $0x90;
	s15 =	simm.s32 $0xC0;
	s8 =	sadd.s32 s9, s5;
	v16 =	vadd.f32 v33, v40;
	v33 =	vand.u32 $0xFFF8, v57;
	v35 =	vld.idx.msk [tilespmem:v35+s13+$0x0], $0xffff;
	v57 =	vor.u32 s7, v6  }
0x9f: {  	v22 =	vmul.f32 $1.428571490e-01, v22;
	[tilespmem:s3+$0x0] =	vst v26;
	v26 =	vmul.f32 $1.428571490e-01, v27;
	s9 =	sand.u32 $0xD0, s11;
	s19 =	simm.s32 $0xA0;
	s12 =	sand.u32 $0xB0, s25;
	v40 =	vld.idx.msk [tilespmem:v59+s13+$0x0], $0xffff;
	v59 =	vor.u32 s7, v7  }
0xa0: {  	s25 =	sadd.s32 s9, s5;
	v37 =	vadd.f32 v37, v38;
	s17 =	simm.s32 $0x80;
	s6 =	sand.u32 $0xA0, s19;
	v41 =	vand.u32 $0xFFF8, v60;
	v33 =	vor.u32 v5, v33;
	v31 =	vld.idx.msk [tilespmem:v31+s13+$0x0], $0xffff  }
0xa1: {  	v20 =	vmovc v1;
	s19 =	sand.u32 $0xF0, s29;
	s0 =	sadd.s32 s12, s5;
	s21 =	sand.u32 $0xF00, s17;
	v41 =	vor.u32 v5, v41;
	v61 =	vadd.f32 v51, v50;
	v51 =	vand.u32 $0xFFF8, v62  }
0xa2: {  	s12 =	simm.s32 $0xE0;
	v42 =	vadd.f32 v44, v42;
	s1 =	sand.u32 $0x80, s17;
	s5 =	sand.u32 $0x90, s18;
	v60 =	vadd.f32 v34, v39;
	v39 =	vld.idx.msk [tilespmem:v29+s13+$0x0], $0xffff;
	v38 =	vor.u32 v8, v51  }
0xa3: {  	[tilespmem:s8+$0x0] =	vst v18;
	v18 =	vmov v0;
	s17 =	sand.u32 $0xB0, s2;
	s9 =	sor.u32 $0xE0E0, s21;
	s11 =	sand.u32 $0xE0, s12;
	v36 =	vadd.f32 v45, v58;
	v13 =	vld.idx.msk [tilespmem:v57+s13+$0x0], $0xffff;
	v28 =	vadd.f32 v28, v61  }
0xa4: {  	s18 =	sand.u32 $0xC0, s15;
	s12 =	simm.s32 $0xD0;
	v15 =	vadd.f32 v21, v37;
	[tilespmem:s0+$0x0] =	vst v22;
	s16 =	sadd.s32 s11, s9;
	v58 =	vmul.f32 $1.428571490e-01, v19;
	v7 =	vld.idx.msk [tilespmem:v59+s13+$0x0], $0xffff;
	v61 =	vadd.f32 v35, v46  }
0xa5: {  	s30 =	sadd.s32 s1, s9;
	s21 =	sadd.s32 s5, s9;
	s8 =	sadd.s32 s6, s9;
	[tilespmem:s16+$0x0] =	vst v26;
	v62 =	vadd.f32 v43, v36;
	v17 =	vld.idx.msk [tilespmem:v33+s13+$0x0], $0xffff;
	v8 =	vadd.f32 v31, v40;
	v27 =	vmul.f32 $1.428571490e-01, v28  }
0xa6: {  	v22 =	vmov v2;
	s3 =	sadd.s32 s17, s9;
	s31 =	sadd.s32 s19, s9;
	s7 =	sand.u32 $0xD0, s12;
	[tilespmem:s4+$0x0] =	vst v58;
	v36 =	vld.idx.msk [tilespmem:v41+s13+$0x0], $0xffff;
	v29 =	vadd.f32 v32, v61;
	v28 =	vadd.f32 v23, v60  }
0xa7: {  	s12 =	sadd.s32 s18, s9;
	s18 =	simm.s32 $0xA10;
	s0 =	sadd.s32 s7, s9;
	v33 =	vmul.f32 $1.428571490e-01, v62;
	v32 =	vmul.f32 $1.428571490e-01, v25;
	v23 =	vmovc v3;
	v12 =	vld.idx.msk [tilespmem:v38+s13+$0x0], $0xffff;
	[tilespmem:s21+$0x0] =	vst v27;
	v27 =	vadd.f32 v24, v42  }
.LBB2_3:
0xa8: {  	s1 =	sadd.s32 $0xFFFFFF90, s18  }
0xa9: {  	s6 =	sadd.s32 $0xFFFFFEB0, s18;
	v51 =	vadd.s32 s1, v18  }
0xaa: {  	v40 =	vadd.s32 s1, v20;
	v3 =	vadd.s32 s6, v18;
	[tilespmem:$0x1FEB0] =	vst v39;
	v39 =	vand.u32 $0xFFF8, v51  }
0xab: {  	s19 =	sadd.s32 $0xFFFFFD60, s18;
	v40 =	vand.u32 $0xFFF8, v40;
	v39 =	vor.u32 v23, v39;
	v34 =	vadd.s32 s18, v52  }
0xac: {  	v26 =	vld [tilespmem:$0x1FFE0];
	v0 =	vmovc v30;
	v31 =	vadd.s32 s18, v63;
	v30 =	vadd.s32 s19, v52;
	v60 =	vadd.s32 s19, v54  }
0xad: {  	s9 =	sadd.s32 $0xFFFFFDD0, s18;
	s16 =	sadd.s32 $0xFFFFFE40, s18;
	v61 =	vadd.s32 s1, v63;
	v37 =	vadd.s32 s1, v52;
	v38 =	vadd.s32 s1, v54  }
0xae: {  	s10 =	sadd.s32 $0xFFFFFF20, s18;
	v43 =	vadd.s32 s9, v54;
	v44 =	vadd.s32 s16, v52;
	v45 =	vadd.s32 s16, v54  }
0xaf: {  	s7 =	sadd.s32 $0xFFFFFCF0, s18;
	v46 =	vadd.s32 s6, v52;
	v47 =	vadd.s32 s6, v54;
	v49 =	vadd.s32 s10, v54  }
0xb0: {  	[tilespmem:$0x1FED0] =	vst v36;
	v50 =	vor.u32 s7, v52;
	v36 =	vand.u32 $0xFFF8, v61;
	v37 =	vand.u32 $0xFFF8, v37  }
0xb1: {  	v38 =	vand.u32 $0xFFF8, v38;
	v41 =	vadd.s32 s1, v26;
	v30 =	vand.u32 $0xFFF8, v30  }
0xb2: {  	v6 =	vld [tilespmem:$0x1FF70];
	[tilespmem:s8+$0x0] =	vst v33;
	v33 =	vand.u32 $0xFFF8, v60;
	v43 =	vand.u32 $0xFFF8, v43;
	v36 =	vor.u32 v22, v36  }
0xb3: {  	[tilespmem:$0x1FF00] =	vst v0;
	v0 =	vld [tilespmem:$0x1FF90];
	v44 =	vand.u32 $0xFFF8, v44;
	v45 =	vand.u32 $0xFFF8, v45;
	v37 =	vor.u32 v55, v37  }
0xb4: {  	[tilespmem:$0x1FEC0] =	vst v17;
	v17 =	vld [tilespmem:$0x1FF80];
	v46 =	vand.u32 $0xFFF8, v46;
	v47 =	vand.u32 $0xFFF8, v47;
	v38 =	vor.u32 v56, v38  }
0xb5: {  	[tilespmem:$0x1FEE0] =	vst v7;
	v7 =	vld [tilespmem:$0x1FFF0];
	v49 =	vand.u32 $0xFFF8, v49;
	v34 =	vand.u32 $0xFFF8, v34;
	v30 =	vor.u32 v55, v30  }
0xb6: {  	v31 =	vand.u32 $0xFFF8, v31;
	v10 =	vadd.s32 s9, v26;
	v57 =	vor.u32 v56, v43;
	v39 =	vld.idx.msk [tilespmem:v39+s13+$0x0], $0xffff  }
0xb7: {  	v14 =	vadd.s32 s6, v26;
	v61 =	vor.u32 v56, v47;
	v47 =	vor.u32 v55, v34;
	v36 =	vld.idx.msk [tilespmem:v36+s13+$0x0], $0xffff  }
0xb8: {  	v41 =	vand.u32 $0xFFF8, v41;
	v58 =	vor.u32 v55, v44;
	v31 =	vor.u32 v22, v31;
	v37 =	vld.idx.msk [tilespmem:v37+s13+$0x0], $0xffff  }
0xb9: {  	v59 =	vor.u32 v56, v45;
	v60 =	vor.u32 v55, v46;
	v40 =	vor.u32 v0, v40;
	v38 =	vld.idx.msk [tilespmem:v38+s13+$0x0], $0xffff  }
0xba: {  	v45 =	vor.u32 v56, v49;
	v44 =	vand.u32 $0xFFF8, v3;
	v41 =	vor.u32 v6, v41;
	v30 =	vld.idx.msk [tilespmem:v30+s13+$0x0], $0xffff  }
0xbb: {  	v46 =	vand.u32 v53, v50;
	v10 =	vand.u32 $0xFFF8, v10;
	v44 =	vor.u32 v23, v44;
	v34 =	vld.idx.msk [tilespmem:v57+s13+$0x0], $0xffff  }
0xbc: {  	v49 =	vadd.s32 s19, v63;
	v14 =	vand.u32 $0xFFF8, v14;
	v10 =	vor.u32 v6, v10;
	v47 =	vld.idx.msk [tilespmem:v47+s13+$0x0], $0xffff  }
0xbd: {  	v50 =	vadd.s32 s19, v18;
	v49 =	vand.u32 $0xFFF8, v49;
	v14 =	vor.u32 v6, v14;
	v31 =	vld.idx.msk [tilespmem:v31+s13+$0x0], $0xffff  }
0xbe: {  	v43 =	vadd.s32 s16, v18;
	v50 =	vand.u32 $0xFFF8, v50;
	v49 =	vor.u32 v22, v49;
	v40 =	vld.idx.msk [tilespmem:v40+s13+$0x0], $0xffff  }
0xbf: {  	[tilespmem:s26+$0x0] =	vst v32;
	v43 =	vand.u32 $0xFFF8, v43;
	v50 =	vor.u32 v23, v50;
	v42 =	vadd.s32 s1, v7;
	v41 =	vld.idx.msk [tilespmem:v41+s13+$0x0], $0xffff  }
0xc0: {  	v43 =	vor.u32 v23, v43;
	v42 =	vand.u32 $0xFFF8, v42;
	v44 =	vld.idx.msk [tilespmem:v44+s13+$0x0], $0xffff  }
0xc1: {  	v42 =	vor.u32 v17, v42;
	v10 =	vld.idx.msk [tilespmem:v10+s13+$0x0], $0xffff  }
0xc2: {  	v21 =	vmov v9;
	v9 =	vadd.s32 s19, v7;
	v14 =	vld.idx.msk [tilespmem:v14+s13+$0x0], $0xffff  }
0xc3: {  	[tilespmem:$0x1FEF0] =	vst v11;
	v11 =	vadd.s32 s9, v7;
	v9 =	vand.u32 $0xFFF8, v9;
	v49 =	vld.idx.msk [tilespmem:v49+s13+$0x0], $0xffff  }
0xc4: {  	v11 =	vand.u32 $0xFFF8, v11;
	v9 =	vor.u32 v17, v9;
	v50 =	vld.idx.msk [tilespmem:v50+s13+$0x0], $0xffff  }
0xc5: {  	v11 =	vor.u32 v17, v11;
	v43 =	vld.idx.msk [tilespmem:v43+s13+$0x0], $0xffff  }
0xc6: {  	v62 =	vadd.s32 s9, v52;
	v48 =	vadd.s32 s10, v52;
	v42 =	vld.idx.msk [tilespmem:v42+s13+$0x0], $0xffff  }
0xc7: {  	v32 =	vand.u32 $0xFFF8, v62;
	v33 =	vor.u32 v56, v33;
	v52 =	vadd.f32 v38, v37;
	v37 =	vld.idx.msk [tilespmem:v60+s13+$0x0], $0xffff  }
0xc8: {  	v1 =	vadd.s32 s16, v20;
	v48 =	vand.u32 $0xFFF8, v48;
	v51 =	vor.u32 v55, v32;
	v38 =	vld.idx.msk [tilespmem:v61+s13+$0x0], $0xffff  }
0xc9: {  	v35 =	vadd.s32 s18, v54;
	v9 =	vld.idx.msk [tilespmem:v9+s13+$0x0], $0xffff;
	v32 =	vadd.f32 v40, v52;
	v40 =	vor.u32 v55, v48  }
0xca: {  	v29 =	vmul.f32 $1.428571490e-01, v29;
	v35 =	vand.u32 $0xFFF8, v35;
	v36 =	vadd.f32 v39, v36;
	v11 =	vld.idx.msk [tilespmem:v11+s13+$0x0], $0xffff  }
0xcb: {  	v24 =	vmovc v12;
	v2 =	vadd.s32 s6, v63;
	v12 =	vadd.s32 s16, v26;
	v48 =	vor.u32 v56, v35;
	v35 =	vld.idx.msk [tilespmem:v58+s13+$0x0], $0xffff  }
0xcc: {  	v57 =	vadd.s32 s6, v20;
	v55 =	vand.u32 $0xFFF8, v2;
	v36 =	vadd.f32 v32, v36;
	v32 =	vld.idx.msk [tilespmem:v33+s13+$0x0], $0xffff  }
0xcd: {  	v4 =	vadd.s32 s18, v26;
	v56 =	vand.u32 $0xFFF8, v57;
	v55 =	vor.u32 v22, v55;
	v33 =	vld.idx.msk [tilespmem:v51+s13+$0x0], $0xffff  }
0xce: {  	v53 =	vadd.s32 s9, v20;
	v52 =	vadd.s32 s9, v18;
	v56 =	vor.u32 v0, v56;
	v39 =	vld.idx.msk [tilespmem:v40+s13+$0x0], $0xffff  }
0xcf: {  	v12 =	vand.u32 $0xFFF8, v12;
	v58 =	vadd.s32 s10, v63;
	v52 =	vand.u32 $0xFFF8, v52;
	v40 =	vld.idx.msk [tilespmem:v45+s13+$0x0], $0xffff  }
0xd0: {  	v57 =	vand.u32 $0xFFF8, v58;
	v52 =	vor.u32 v23, v52;
	v41 =	vadd.f32 v42, v41;
	v45 =	vld.idx.msk [tilespmem:v46+s13+$0x0], $0xffff  }
0xd1: {  	v4 =	vand.u32 $0xFFF8, v4;
	v51 =	vadd.s32 s9, v63;
	v57 =	vor.u32 v22, v57;
	v48 =	vld.idx.msk [tilespmem:v48+s13+$0x0], $0xffff  }
0xd2: {  	v42 =	vor.u32 s7, v54;
	v51 =	vand.u32 $0xFFF8, v51;
	v36 =	vadd.f32 v36, v41;
	v55 =	vld.idx.msk [tilespmem:v55+s13+$0x0], $0xffff  }
0xd3: {  	v54 =	vadd.s32 s16, v63;
	v51 =	vor.u32 v22, v51;
	v46 =	vand.u32 $0xFFF8, v53;
	v56 =	vld.idx.msk [tilespmem:v56+s13+$0x0], $0xffff  }
0xd4: {  	v53 =	vand.u32 $0xFFF8, v54;
	v46 =	vor.u32 v0, v46;
	v62 =	vmul.f32 $1.428571490e-01, v36;
	v36 =	vld.idx.msk [tilespmem:v59+s13+$0x0], $0xffff  }
0xd5: {  	v41 =	vadd.s32 s19, v20;
	v54 =	vand.u32 $0xFFF8, v1;
	v53 =	vor.u32 v22, v53;
	v52 =	vld.idx.msk [tilespmem:v52+s13+$0x0], $0xffff  }
0xd6: {  	s29 =	sadd.s32 $0x80, s29;
	v61 =	vadd.s32 s18, v18;
	v41 =	vand.u32 $0xFFF8, v41;
	v54 =	vor.u32 v0, v54;
	v57 =	vld.idx.msk [tilespmem:v57+s13+$0x0], $0xffff  }
0xd7: {  	s17 =	sadd.s32 $0xFFFFFF90, s29;
	v60 =	vadd.s32 s10, v20;
	v2 =	vand.u32 $0xFFF8, v61;
	v41 =	vor.u32 v0, v41;
	v42 =	vld.idx.msk [tilespmem:v42+s13+$0x0], $0xffff  }
0xd8: {  	s15 =	sadd.s32 $0xFFFFFFF0, s29;
	s2 =	sand.u32 $0xF00, s17;
	v1 =	vand.u32 $0xFFF8, v60;
	v60 =	vor.u32 v23, v2;
	v2 =	vadd.s32 s10, v26;
	v51 =	vld.idx.msk [tilespmem:v51+s13+$0x0], $0xffff  }
0xd9: {  	s15 =	sand.u32 $0xE0, s15;
	s2 =	sor.u32 $0xE0E0, s2;
	v12 =	vor.u32 v6, v12;
	v2 =	vand.u32 $0xFFF8, v2;
	v59 =	vadd.s32 s10, v18;
	v46 =	vld.idx.msk [tilespmem:v46+s13+$0x0], $0xffff  }
0xda: {  	s15 =	sadd.s32 s15, s2;
	v30 =	vadd.f32 v32, v30;
	v32 =	vadd.f32 v34, v33;
	v58 =	vand.u32 $0xFFF8, v59;
	v53 =	vld.idx.msk [tilespmem:v53+s13+$0x0], $0xffff  }
0xdb: {  	v59 =	vor.u32 v0, v1;
	[tilespmem:s15+$0x0] =	vst v62;
	v62 =	vadd.s32 s18, v20;
	v58 =	vor.u32 v23, v58;
	v54 =	vld.idx.msk [tilespmem:v54+s13+$0x0], $0xffff  }
0xdc: {  	v19 =	vmovc v18;
	v3 =	vand.u32 $0xFFF8, v62;
	v62 =	vor.u32 s7, v63;
	v63 =	vor.u32 s7, v18;
	v18 =	vmovc v22;
	v41 =	vld.idx.msk [tilespmem:v41+s13+$0x0], $0xffff  }
0xdd: {  	v22 =	vmovc v23;
	v23 =	vmov v8;
	v8 =	vadd.s32 s19, v26;
	[tilespmem:s3+$0x0] =	vst v29;
	v33 =	vadd.f32 v36, v35;
	v35 =	vld.idx.msk [tilespmem:v60+s13+$0x0], $0xffff  }
0xde: {  	v4 =	vor.u32 v6, v4;
	v2 =	vor.u32 v6, v2;
	v8 =	vand.u32 $0xFFF8, v8;
	v12 =	vld.idx.msk [tilespmem:v12+s13+$0x0], $0xffff  }
0xdf: {  	v8 =	vor.u32 v6, v8;
	v6 =	vor.u32 s7, v26;
	v26 =	vmul.f32 $1.428571490e-01, v15;
	v15 =	vld [tilespmem:$0x1FEC0]  }
0xe0: {  	v60 =	vld [tilespmem:$0x1FED0]  }
0xe1: {  	v28 =	vmul.f32 $1.428571490e-01, v28;
	v5 =	vadd.s32 s18, v7;
	v59 =	vld.idx.msk [tilespmem:v59+s13+$0x0], $0xffff  }
0xe2: {  	v25 =	vmovc v20;
	v5 =	vand.u32 $0xFFF8, v5;
	v1 =	vor.u32 s7, v20;
	v20 =	vmovc v13;
	v13 =	vadd.s32 s16, v7;
	v58 =	vld.idx.msk [tilespmem:v58+s13+$0x0], $0xffff  }
0xe3: {  	v5 =	vor.u32 v17, v5;
	v34 =	vadd.f32 v38, v37;
	v13 =	vand.u32 $0xFFF8, v13;
	v29 =	vld.idx.msk [tilespmem:v62+s13+$0x0], $0xffff  }
0xe4: {  	v47 =	vadd.f32 v48, v47;
	v61 =	vor.u32 v0, v3;
	[tilespmem:s25+$0x0] =	vst v26;
	v26 =	vmul.f32 $1.428571490e-01, v27;
	v27 =	vld.idx.msk [tilespmem:v63+s13+$0x0], $0xffff  }
0xe5: {  	v0 =	vadd.s32 s6, v7;
	v3 =	vadd.s32 s10, v7;
	v13 =	vor.u32 v17, v13;
	v63 =	vld [tilespmem:$0x1FF30]  }
0xe6: {  	v0 =	vand.u32 $0xFFF8, v0;
	v3 =	vand.u32 $0xFFF8, v3;
	[tilespmem:s23+$0x0] =	vst v28;
	v28 =	vadd.f32 v56, v34;
	v56 =	vld [tilespmem:$0x1FF60]  }
0xe7: {  	v0 =	vor.u32 v17, v0;
	v3 =	vor.u32 v17, v3;
	v36 =	vadd.f32 v42, v45;
	v17 =	vld.idx.msk [tilespmem:v2+s13+$0x0], $0xffff  }
0xe8: {  	v42 =	vadd.f32 v40, v39;
	v62 =	vld [tilespmem:$0x1FF00];
	v32 =	vadd.f32 v46, v32  }
0xe9: {  	v45 =	vld.idx.msk [tilespmem:v61+s13+$0x0], $0xffff;
	v33 =	vadd.f32 v54, v33;
	[tilespmem:s24+$0x0] =	vst v26;
	v26 =	vadd.f32 v50, v49  }
0xea: {  	v54 =	vld [tilespmem:$0x1FF40];
	v49 =	vadd.f32 v52, v51;
	v51 =	vadd.f32 v44, v55  }
0xeb: {  	v50 =	vadd.f32 v43, v53;
	v30 =	vadd.f32 v41, v30;
	v8 =	vld.idx.msk [tilespmem:v8+s13+$0x0], $0xffff  }
0xec: {  	v1 =	vld.idx.msk [tilespmem:v1+s13+$0x0], $0xffff;
	v48 =	vadd.f32 v59, v42;
	v28 =	vadd.f32 v28, v51  }
0xed: {  	v59 =	vadd.f32 v11, v10;
	v39 =	vld.idx.msk [tilespmem:v3+s13+$0x0], $0xffff;
	v3 =	vadd.f32 v24, v60  }
0xee: {  	v13 =	vld.idx.msk [tilespmem:v13+s13+$0x0], $0xffff;
	v57 =	vadd.f32 v58, v57;
	v26 =	vadd.f32 v30, v26  }
0xef: {  	s28 =	sadd.s32 $0x8, s28;
	v0 =	vld.idx.msk [tilespmem:v0+s13+$0x0], $0xffff;
	v30 =	vadd.f32 v35, v31;
	v31 =	vadd.f32 v33, v50  }
0xf0: {  	s26 =	smov.u32 s12;
	p1 =	slt.u32 s28, $0xF8;
	s4 =	sadd.s32 $0xFFFFFFA0, s29;
	v27 =	vadd.f32 v27, v29;
	v8 =	vadd.f32 v9, v8;
	v9 =	vld [tilespmem:$0x1FEB0]  }
0xf1: {  	s5 =	sadd.s32 $0xFFFFFFB0, s29;
	s11 =	sadd.s32 $0xFFFFFFC0, s29;
	s21 =	sadd.s32 $0xFFFFFFD0, s29;
	v7 =	vor.u32 s7, v7;
	v29 =	vadd.f32 v32, v49;
	v1 =	vadd.f32 v1, v36;
	v36 =	vld.idx.msk [tilespmem:v4+s13+$0x0], $0xffff  }
0xf2: {  	s4 =	sand.u32 $0x90, s4;
	s5 =	sand.u32 $0xA0, s5;
	s12 =	sand.u32 $0xB0, s11;
	v38 =	vadd.f32 v45, v47;
	v58 =	vadd.f32 v48, v57;
	v4 =	vld [tilespmem:$0x1FEE0]  }
0xf3: {  	s11 =	sand.u32 $0xF0, s29;
	s8 =	sadd.s32 s5, s2;
	s5 =	sadd.s32 s12, s2;
	v10 =	vadd.f32 v13, v12;
	v13 =	vld.idx.msk [tilespmem:v6+s13+$0x0], $0xffff;
	v6 =	vadd.f32 v21, v23  }
0xf4: {  	s1 =	sand.u32 $0x80, s17;
	s17 =	sadd.s32 $0xFFFFFFE0, s29;
	s15 =	sand.u32 $0xC0, s21;
	v61 =	vld [tilespmem:$0x1FEF0];
	v2 =	vadd.f32 v29, v59;
	v1 =	vadd.f32 v1, v27  }
.Ltmp2:
0xf5: {  	s21 =	sand.u32 $0xD0, s17;
	s17 =	sadd.s32 s1, s2;
	v52 =	vld [tilespmem:$0x1FF10];
	v8 =	vadd.f32 v26, v8;
	v9 =	vadd.f32 v9, v15;
	(pc) =	sbr.rel @p1 .LBB2_3-.Ltmp2, $4  }
0xf6: {  	s1 =	sadd.s32 s4, s2;
	s18 =	sadd.s32 $0x380, s18;
	s12 =	sadd.s32 s15, s2;
	v7 =	vld.idx.msk [tilespmem:v7+s13+$0x0], $0xffff;
	v23 =	vmov v22;
	v30 =	vadd.f32 v38, v30;
	v29 =	vadd.f32 v31, v10  }
0xf7: {  	s15 =	sadd.s32 s21, s2;
	s21 =	sadd.s32 s11, s2;
	s3 =	smov.u32 s5;
	v12 =	vld.idx.msk [tilespmem:v5+s13+$0x0], $0xffff;
	v22 =	vmovc v18;
	v18 =	vmovc v19;
	v32 =	vmul.f32 $1.428571490e-01, v6;
	v4 =	vadd.f32 v4, v20;
	v5 =	vmul.f32 $1.428571490e-01, v8  }
0xf8: {  	s25 =	smov.u32 s0;
	s0 =	smov.u32 s15;
	s23 =	smov.u32 s30;
	v53 =	vld [tilespmem:$0x1FF20];
	v27 =	vadd.f32 v62, v3;
	v33 =	vmul.f32 $1.428571490e-01, v2;
	v11 =	vmovc v1;
	v20 =	vmovc v25;
	v8 =	vadd.f32 v0, v14  }
0xf9: {  	s30 =	smov.u32 s17;
	s24 =	smov.u32 s31;
	s31 =	smov.u32 s21;
	v55 =	vld [tilespmem:$0x1FF50];
	[tilespmem:s1+$0x0] =	vst v5;
	v15 =	vadd.f32 v16, v9;
	v16 =	vmovc v58;
	v9 =	vmov v28;
	v28 =	vadd.f32 v61, v4  }
0xfa: {  	[tilespmem:s8+$0x0] =	vst v33;
	v0 =	vmul.f32 $1.428571490e-01, v29  }
0xfb: {  	[tilespmem:s26+$0x0] =	vst v32;
	v2 =	vadd.f32 v39, v17;
	v10 =	vmul.f32 $1.428571490e-01, v27  }
0xfc: {  	v4 =	vadd.f32 v9, v8;
	v1 =	vmul.f32 $1.428571490e-01, v15;
	v3 =	vadd.f32 v7, v13;
	[tilespmem:s3+$0x0] =	vst v0  }
0xfd: {  	v62 =	vmul.f32 $1.428571490e-01, v28;
	v5 =	vadd.f32 v12, v36;
	v2 =	vadd.f32 v16, v2;
	[tilespmem:s24+$0x0] =	vst v10  }
0xfe: {  	v32 =	vmul.f32 $1.428571490e-01, v4;
	[tilespmem:s25+$0x0] =	vst v1;
	v11 =	vadd.f32 v11, v3  }
0xff: {  	[tilespmem:s23+$0x0] =	vst v62;
	v33 =	vadd.f32 v30, v5;
	v2 =	vmul.f32 $1.428571490e-01, v2  }
0x100: {  	[tilespmem:s12+$0x0] =	vst v32;
	v0 =	vmul.f32 $1.428571490e-01, v11  }
0x101: {  	[tilespmem:s0+$0x0] =	vst v2;
	v1 =	vmul.f32 $1.428571490e-01, v33  }
0x102: {  	[tilespmem:s30+$0x0] =	vst v0  }
0x103: {  	s15 =	smul.u32 $0x70, s22;
	s2 =	simm.s32 $0x0;
	[tilespmem:s31+$0x0] =	vst v1  }
0x104: {  	s16 =	simm.s32 $0xE0E0;
	s12 =	sshll.u32 s22, $0x9;
	s1 =	rddreg [dreg:$0x4]  }
0x105: {  	s17 =	simm.s32 $0x3;
	s21 =	simm.s32 $0x310;
	s0 =	sadd.s32 s1, s12  }
0x106: {  	[hbm4b:s0+s2] =	stream.linear.scatter [tilespmem:s16], [sflag:$0x3], $0x1000, $0x38;
	[tilespmem:$0xF0E0] =	vst v63  }
0x107: {  	s6 =	simm.s32 $0xE0;
	s7 =	simm.s32 $0x1C0;
	v34 =	vadd.s32 s21, v52;
	v15 =	vadd.s32 s21, v63;
	_ =	swait.ge [sflag:s17], $0x1000  }
0x108: {  	s4 =	simm.s32 $0x230;
	s5 =	simm.s32 $0x0;
	v35 =	vadd.s32 s21, v54;
	v39 =	vadd.s32 s6, v52;
	v17 =	vadd.s32 s7, v54;
	[sflag:s17] =	ssyncset.done $0x0  }
0x109: {  	v21 =	vadd.s32 s4, v52;
	v24 =	vadd.s32 s4, v54;
	v26 =	vor.u32 s5, v52;
	s18 =	sshrl.u32 s15, $0x3;
	s19 =	rddreg [dreg:$0x1]  }
0x10a: {  	v61 =	vor.u32 s5, v54;
	v27 =	vadd.s32 s6, v18;
	v46 =	vadd.s32 s7, v63;
	s0 =	sadd.s32 s19, s18  }
0x10b: {  	s24 =	simm.s32 $0x70;
	v12 =	vadd.s32 s6, v54;
	v16 =	vadd.s32 s7, v52;
	v17 =	vand.u32 $0xFFF8, v17;
	[sflag:s17] =	ssyncadd.s32 $0xFFFFF000;
	s0 =	sadd.s32 $0x1C, s0  }
0x10c: {  	v21 =	vand.u32 $0xFFF8, v21;
	v28 =	vand.u32 $0xFFF8, v27;
	v27 =	vadd.s32 s7, v20;
	[tilespmem:s2], [sflag:$0x3] =	stream.linear.gather [hbm4b:s0+s2], $0x70, $0x38;
	[tilespmem:$0xF0E0] =	vst v63  }
0x10d: {  	s3 =	simm.s32 $0x150;
	v15 =	vand.u32 $0xFFF8, v15;
	v36 =	vadd.s32 s24, v52;
	v37 =	vadd.s32 s24, v54;
	_ =	swait.ge [sflag:s17], $0x70  }
0x10e: {  	s25 =	simm.s32 $0x2A0;
	v13 =	vadd.s32 s3, v52;
	v14 =	vadd.s32 s3, v54;
	v12 =	vand.u32 $0xFFF8, v12;
	s22 =	simm.s32 $0x70;
	[sflag:s17] =	ssyncset.done $0x0  }
0x10f: {  	v16 =	vand.u32 $0xFFF8, v16;
	v58 =	vor.u32 v56, v17;
	v41 =	vadd.s32 s24, v20;
	s31 =	simm.s32 $0x2;
	s26 =	rddreg [dreg:$0x3];
	[sflag:s17] =	ssyncadd.s32 $0xFFFFFF90  }
0x110: {  	v17 =	vand.u32 v53, v26;
	v29 =	vadd.s32 s3, v63;
	v38 =	vadd.s32 s25, v63;
	[tilespmem:s13], [sflag:$0x1] =	stream.indirect.gather [hbm4b:s26+s22], $0x100, s2, s22, $0xb8;
	[tilespmem:$0xF0E0] =	vst v63  }
0x111: {  	v45 =	vadd.s32 s3, v18;
	v6 =	vadd.s32 s25, v52;
	v4 =	vand.u32 $0xFFF8, v38;
	_ =	swait.ge [sflag:s31], $0x7000  }
0x112: {  	v48 =	vadd.s32 s25, v54;
	v6 =	vand.u32 $0xFFF8, v6;
	v4 =	vor.u32 v22, v4;
	v25 =	vld [tilespmem:$0x1FFE0]  }
0x113: {  	v49 =	vadd.s32 s25, v18;
	v7 =	vand.u32 $0xFFF8, v48;
	v6 =	vor.u32 v55, v6;
	v19 =	vld [tilespmem:$0x1FFF0]  }
0x114: {  	v27 =	vand.u32 $0xFFF8, v27;
	v8 =	vand.u32 $0xFFF8, v49;
	v7 =	vor.u32 v56, v7;
	v44 =	vld [tilespmem:$0x1FF90]  }
0x115: {  	v15 =	vor.u32 v22, v15;
	v8 =	vor.u32 v23, v8;
	v2 =	vand.u32 $0xFFF8, v36;
	[sflag:s31] =	ssyncset.done $0x0;
	v42 =	vld [tilespmem:$0x1FF70]  }
0x116: {  	v50 =	vadd.s32 s25, v20;
	v3 =	vand.u32 $0xFFF8, v37;
	v2 =	vor.u32 v55, v2;
	v43 =	vld [tilespmem:$0x1FF80];
	[sflag:s31] =	ssyncadd.s32 $0xFFFF9000  }
0x117: {  	v5 =	vand.u32 $0xFFF8, v39;
	v13 =	vand.u32 $0xFFF8, v13;
	v3 =	vor.u32 v56, v3;
	v4 =	vld.idx.msk [tilespmem:v4+s14+$0x0], $0xffff  }
0x118: {  	v14 =	vand.u32 $0xFFF8, v14;
	v12 =	vor.u32 v56, v12;
	v5 =	vor.u32 v55, v5;
	v6 =	vld.idx.msk [tilespmem:v6+s14+$0x0], $0xffff  }
0x119: {  	v16 =	vor.u32 v55, v16;
	v59 =	vor.u32 v55, v21;
	v21 =	vadd.s32 s6, v20;
	v7 =	vld.idx.msk [tilespmem:v7+s14+$0x0], $0xffff  }
0x11a: {  	v31 =	vand.u32 $0xFFF8, v29;
	v29 =	vadd.s32 s4, v18;
	v13 =	vor.u32 v55, v13;
	v8 =	vld.idx.msk [tilespmem:v8+s14+$0x0], $0xffff  }
0x11b: {  	v57 =	vor.u32 v56, v14;
	v14 =	vand.u32 $0xFFF8, v24;
	v0 =	vand.u32 $0xFFF8, v34;
	v2 =	vld.idx.msk [tilespmem:v2+s14+$0x0], $0xffff  }
0x11c: {  	v24 =	vadd.s32 s24, v18;
	v1 =	vand.u32 $0xFFF8, v35;
	v0 =	vor.u32 v55, v0;
	v3 =	vld.idx.msk [tilespmem:v3+s14+$0x0], $0xffff  }
0x11d: {  	v9 =	vand.u32 $0xFFF8, v50;
	v26 =	vand.u32 $0xFFF8, v24;
	v1 =	vor.u32 v56, v1;
	v5 =	vld.idx.msk [tilespmem:v5+s14+$0x0], $0xffff  }
0x11e: {  	v21 =	vand.u32 $0xFFF8, v21;
	v30 =	vor.u32 v23, v26;
	v26 =	vadd.s32 s7, v18;
	v12 =	vld.idx.msk [tilespmem:v12+s14+$0x0], $0xffff  }
0x11f: {  	v47 =	vor.u32 v22, v31;
	v35 =	vor.u32 v23, v28;
	v26 =	vand.u32 $0xFFF8, v26;
	v60 =	vld.idx.msk [tilespmem:v13+s14+$0x0], $0xffff  }
0x120: {  	v31 =	vadd.s32 s21, v18;
	v49 =	vand.u32 $0xFFF8, v46;
	v26 =	vor.u32 v23, v26;
	v62 =	vld.idx.msk [tilespmem:v16+s14+$0x0], $0xffff  }
0x121: {  	v50 =	vadd.s32 s21, v20;
	v29 =	vand.u32 $0xFFF8, v29;
	v14 =	vor.u32 v56, v14;
	v0 =	vld.idx.msk [tilespmem:v0+s14+$0x0], $0xffff  }
0x122: {  	v24 =	vadd.s32 s3, v20;
	v33 =	vand.u32 $0xFFF8, v45;
	v13 =	vadd.s32 s24, v63;
	v1 =	vld.idx.msk [tilespmem:v1+s14+$0x0], $0xffff  }
0x123: {  	v34 =	vor.u32 v22, v49;
	v16 =	vadd.s32 s6, v63;
	v48 =	vld.idx.msk [tilespmem:v30+s14+$0x0], $0xffff;
	v13 =	vand.u32 $0xFFF8, v13  }
0x124: {  	v31 =	vand.u32 $0xFFF8, v31;
	v38 =	vld.idx.msk [tilespmem:v35+s14+$0x0], $0xffff;
	v16 =	vand.u32 $0xFFF8, v16;
	v13 =	vor.u32 v22, v13  }
0x125: {  	v32 =	vand.u32 $0xFFF8, v50;
	v29 =	vor.u32 v23, v29;
	v26 =	vld.idx.msk [tilespmem:v26+s14+$0x0], $0xffff;
	v16 =	vor.u32 v22, v16  }
0x126: {  	v24 =	vand.u32 $0xFFF8, v24;
	v9 =	vor.u32 v44, v9;
	v6 =	vadd.f32 v7, v6;
	v7 =	vld.idx.msk [tilespmem:v57+s14+$0x0], $0xffff  }
0x127: {  	v10 =	vadd.s32 s25, v25;
	v21 =	vor.u32 v44, v21;
	v4 =	vadd.f32 v8, v4;
	v8 =	vld.idx.msk [tilespmem:v58+s14+$0x0], $0xffff  }
0x128: {  	v51 =	vadd.s32 s25, v19;
	v32 =	vor.u32 v44, v32;
	v10 =	vand.u32 $0xFFF8, v10;
	v57 =	vld.idx.msk [tilespmem:v34+s14+$0x0], $0xffff  }
0x129: {  	v28 =	vadd.s32 s4, v63;
	v11 =	vand.u32 $0xFFF8, v51;
	v10 =	vor.u32 v42, v10;
	v13 =	vld.idx.msk [tilespmem:v13+s14+$0x0], $0xffff  }
0x12a: {  	v40 =	vor.u32 v23, v33;
	v28 =	vand.u32 $0xFFF8, v28;
	v11 =	vor.u32 v43, v11;
	v16 =	vld.idx.msk [tilespmem:v16+s14+$0x0], $0xffff  }
0x12b: {  	v31 =	vor.u32 v23, v31;
	v28 =	vor.u32 v22, v28;
	s18 =	simm.s32 $0x690;
	v51 =	vor.u32 s5, v63;
	v9 =	vld.idx.msk [tilespmem:v9+s14+$0x0], $0xffff  }
0x12c: {  	v49 =	vadd.s32 s18, v52;
	v30 =	vadd.s32 s4, v20;
	v58 =	vor.u32 s5, v18;
	v21 =	vld.idx.msk [tilespmem:v21+s14+$0x0], $0xffff  }
0x12d: {  	v50 =	vadd.s32 s18, v54;
	v30 =	vand.u32 $0xFFF8, v30;
	v24 =	vor.u32 v44, v24;
	v32 =	vld.idx.msk [tilespmem:v32+s14+$0x0], $0xffff  }
0x12e: {  	v27 =	vor.u32 v44, v27;
	v5 =	vadd.f32 v12, v5;
	v12 =	vadd.s32 s24, v25;
	v10 =	vld.idx.msk [tilespmem:v10+s14+$0x0], $0xffff  }
0x12f: {  	s9 =	simm.s32 $0x3F0;
	v30 =	vor.u32 v44, v30;
	v2 =	vadd.f32 v3, v2;
	v12 =	vand.u32 $0xFFF8, v12;
	v11 =	vld.idx.msk [tilespmem:v11+s14+$0x0], $0xffff  }
0x130: {  	s11 =	simm.s32 $0x620;
	v0 =	vadd.f32 v1, v0;
	v12 =	vor.u32 v42, v12;
	v33 =	vld.idx.msk [tilespmem:v51+s14+$0x0], $0xffff;
	v51 =	vadd.s32 s9, v52  }
0x131: {  	v34 =	vld.idx.msk [tilespmem:v58+s14+$0x0], $0xffff;
	v58 =	vadd.s32 s11, v63;
	v13 =	vadd.f32 v48, v13;
	v16 =	vadd.f32 v38, v16  }
0x132: {  	v6 =	vadd.f32 v9, v6;
	v9 =	vld.idx.msk [tilespmem:v59+s14+$0x0], $0xffff;
	v59 =	vor.u32 s5, v20;
	v5 =	vadd.f32 v21, v5  }
0x133: {  	v28 =	vld.idx.msk [tilespmem:v28+s14+$0x0], $0xffff;
	v21 =	vadd.s32 s7, v19;
	v0 =	vadd.f32 v32, v0;
	v32 =	vadd.s32 s11, v20  }
0x134: {  	v24 =	vld.idx.msk [tilespmem:v24+s14+$0x0], $0xffff;
	v21 =	vand.u32 $0xFFF8, v21;
	v10 =	vadd.f32 v11, v10;
	v4 =	vadd.f32 v6, v4  }
0x135: {  	s12 =	simm.s32 $0x540;
	v11 =	vld.idx.msk [tilespmem:v61+s14+$0x0], $0xffff;
	v6 =	vadd.f32 v7, v60;
	v60 =	vadd.s32 s24, v19;
	v61 =	vadd.s32 s6, v25  }
0x136: {  	v29 =	vld.idx.msk [tilespmem:v29+s14+$0x0], $0xffff;
	v5 =	vadd.f32 v5, v16;
	v16 =	vadd.s32 s12, v52;
	v7 =	vand.u32 $0xFFF8, v60  }
0x137: {  	v14 =	vld.idx.msk [tilespmem:v14+s14+$0x0], $0xffff;
	v60 =	vadd.s32 s11, v52;
	v16 =	vand.u32 $0xFFF8, v16;
	v37 =	vadd.f32 v4, v10  }
0x138: {  	v17 =	vld.idx.msk [tilespmem:v17+s14+$0x0], $0xffff;
	v10 =	vand.u32 $0xFFF8, v41;
	v4 =	vadd.f32 v8, v62;
	v62 =	vadd.s32 s3, v19  }
0x139: {  	v39 =	vld.idx.msk [tilespmem:v47+s14+$0x0], $0xffff;
	v41 =	vadd.s32 s7, v25;
	v8 =	vand.u32 $0xFFF8, v61;
	v7 =	vor.u32 v43, v7  }
0x13a: {  	v27 =	vld.idx.msk [tilespmem:v27+s14+$0x0], $0xffff;
	v6 =	vadd.f32 v24, v6;
	v24 =	vor.u32 v43, v21;
	v21 =	vadd.f32 v26, v57  }
0x13b: {  	s15 =	simm.s32 $0x5B0;
	v40 =	vld.idx.msk [tilespmem:v40+s14+$0x0], $0xffff;
	v26 =	vadd.f32 v29, v28;
	v57 =	vadd.s32 s9, v54;
	v61 =	vadd.s32 s11, v54  }
0x13c: {  	v30 =	vld.idx.msk [tilespmem:v30+s14+$0x0], $0xffff;
	v28 =	vadd.s32 s15, v54;
	v10 =	vor.u32 v44, v10;
	v9 =	vadd.f32 v14, v9  }
0x13d: {  	s8 =	simm.s32 $0x460;
	s7 =	simm.s32 $0x380;
	v14 =	vadd.s32 s3, v25;
	v8 =	vor.u32 v42, v8;
	v1 =	vand.u32 $0xFFF8, v41  }
0x13e: {  	v3 =	vld.idx.msk [tilespmem:v59+s14+$0x0], $0xffff;
	v59 =	vadd.s32 s8, v52;
	v29 =	vor.u32 s7, v52;
	v28 =	vand.u32 $0xFFF8, v28  }
0x13f: {  	v14 =	vand.u32 $0xFFF8, v14;
	v4 =	vadd.f32 v27, v4;
	v1 =	vor.u32 v42, v1  }
0x140: {  	v15 =	vld.idx.msk [tilespmem:v15+s14+$0x0], $0xffff;
	v27 =	vadd.f32 v40, v39;
	v11 =	vadd.f32 v11, v17;
	v17 =	vadd.s32 s6, v19  }
0x141: {  	v12 =	vld.idx.msk [tilespmem:v12+s14+$0x0], $0xffff;
	v14 =	vor.u32 v42, v14;
	v9 =	vadd.f32 v30, v9;
	v30 =	vadd.s32 s8, v20  }
0x142: {  	v17 =	vand.u32 $0xFFF8, v17;
	v6 =	vadd.f32 v6, v27;
	v39 =	vadd.f32 v4, v21;
	v7 =	vld.idx.msk [tilespmem:v7+s14+$0x0], $0xffff  }
0x143: {  	v4 =	vand.u32 $0xFFF8, v58;
	v27 =	vadd.s32 s15, v52;
	v58 =	vadd.s32 s12, v63;
	v10 =	vld.idx.msk [tilespmem:v10+s14+$0x0], $0xffff  }
0x144: {  	v30 =	vand.u32 $0xFFF8, v30;
	v17 =	vor.u32 v43, v17;
	v45 =	vld.idx.msk [tilespmem:v24+s14+$0x0], $0xffff;
	v21 =	vadd.f32 v9, v26  }
0x145: {  	v4 =	vor.u32 v22, v4;
	v9 =	vand.u32 $0xFFF8, v32;
	v27 =	vand.u32 $0xFFF8, v27;
	v1 =	vld.idx.msk [tilespmem:v1+s14+$0x0], $0xffff  }
0x146: {  	v31 =	vld.idx.msk [tilespmem:v31+s14+$0x0], $0xffff;
	v30 =	vor.u32 v44, v30;
	v3 =	vadd.f32 v3, v11;
	v9 =	vor.u32 v44, v9  }
0x147: {  	v46 =	vadd.f32 v7, v12;
	v7 =	vand.u32 $0xFFF8, v61;
	v12 =	vadd.s32 s8, v54  }
0x148: {  	v8 =	vld.idx.msk [tilespmem:v8+s14+$0x0], $0xffff;
	v61 =	vadd.s32 s15, v63;
	v2 =	vadd.f32 v10, v2;
	v10 =	vand.u32 $0xFFF8, v62  }
0x149: {  	v17 =	vld.idx.msk [tilespmem:v17+s14+$0x0], $0xffff;
	v62 =	vadd.s32 s11, v18;
	v7 =	vor.u32 v56, v7;
	v12 =	vand.u32 $0xFFF8, v12  }
0x14a: {  	v10 =	vor.u32 v43, v10;
	v36 =	vadd.f32 v45, v1;
	v12 =	vor.u32 v56, v12  }
0x14b: {  	v1 =	vand.u32 $0xFFF8, v50;
	v2 =	vadd.f32 v2, v13;
	v13 =	vld.idx.msk [tilespmem:v14+s14+$0x0], $0xffff;
	v14 =	vadd.f32 v31, v15  }
0x14c: {  	s10 =	simm.s32 $0x4D0;
	v15 =	vadd.f32 v34, v33;
	v33 =	vadd.s32 s11, v25;
	v34 =	vadd.s32 s11, v19  }
0x14d: {  	v1 =	vor.u32 v56, v1;
	v31 =	vadd.s32 s10, v63;
	v11 =	vand.u32 $0xFFF8, v34  }
0x14e: {  	v31 =	vand.u32 $0xFFF8, v31;
	v41 =	vadd.f32 v3, v15;
	v47 =	vadd.f32 v17, v8  }
0x14f: {  	v34 =	vand.u32 $0xFFF8, v58;
	v24 =	vadd.f32 v0, v14;
	v26 =	vadd.f32 v2, v46  }
0x150: {  	v4 =	vld.idx.msk [tilespmem:v4+s14+$0x0], $0xffff;
	v15 =	vadd.s32 s18, v63;
	v8 =	vand.u32 $0xFFF8, v62;
	v14 =	vadd.s32 s10, v54  }
0x151: {  	v30 =	vld.idx.msk [tilespmem:v30+s14+$0x0], $0xffff;
	v11 =	vor.u32 v43, v11;
	v17 =	vadd.s32 s12, v54;
	v2 =	vand.u32 $0xFFF8, v51  }
0x152: {  	v9 =	vld.idx.msk [tilespmem:v9+s14+$0x0], $0xffff;
	v3 =	vand.u32 $0xFFF8, v57;
	v0 =	vand.u32 $0xFFF8, v49;
	v46 =	vor.u32 v55, v27  }
0x153: {  	v49 =	vadd.s32 s9, v20;
	v51 =	vadd.s32 s10, v18;
	v31 =	vor.u32 v22, v31;
	v7 =	vld.idx.msk [tilespmem:v7+s14+$0x0], $0xffff  }
0x154: {  	v57 =	vadd.s32 s10, v20;
	v34 =	vor.u32 v22, v34;
	v8 =	vor.u32 v23, v8;
	v10 =	vld.idx.msk [tilespmem:v10+s14+$0x0], $0xffff  }
0x155: {  	v62 =	vadd.s32 s18, v18;
	v2 =	vor.u32 v55, v2;
	v3 =	vor.u32 v56, v3;
	v12 =	vld.idx.msk [tilespmem:v12+s14+$0x0], $0xffff  }
0x156: {  	v14 =	vand.u32 $0xFFF8, v14;
	v17 =	vand.u32 $0xFFF8, v17;
	v0 =	vor.u32 v55, v0;
	v1 =	vld.idx.msk [tilespmem:v1+s14+$0x0], $0xffff  }
0x157: {  	v32 =	vand.u32 $0xFFF8, v51;
	v15 =	vand.u32 $0xFFF8, v15;
	v51 =	vadd.s32 s9, v25;
	v11 =	vld.idx.msk [tilespmem:v11+s14+$0x0], $0xffff  }
0x158: {  	v38 =	vadd.f32 v5, v47;
	v35 =	vor.u32 v56, v14;
	v14 =	vor.u32 v55, v16;
	v31 =	vld.idx.msk [tilespmem:v31+s14+$0x0], $0xffff  }
0x159: {  	v5 =	vand.u32 $0xFFF8, v59;
	v16 =	vor.u32 v56, v28;
	v8 =	vld.idx.msk [tilespmem:v8+s14+$0x0], $0xffff;
	v48 =	vadd.f32 v10, v13  }
0x15a: {  	v45 =	vor.u32 v56, v17;
	v17 =	vand.u32 v53, v29;
	v47 =	vor.u32 s7, v54;
	v2 =	vld.idx.msk [tilespmem:v2+s14+$0x0], $0xffff  }
0x15b: {  	v32 =	vor.u32 v23, v32;
	v3 =	vld.idx.msk [tilespmem:v3+s14+$0x0], $0xffff;
	v40 =	vadd.f32 v6, v48;
	v6 =	vand.u32 $0xFFF8, v60  }
0x15c: {  	v28 =	vadd.s32 s9, v18;
	v29 =	vadd.s32 s8, v18;
	v0 =	vld.idx.msk [tilespmem:v0+s14+$0x0], $0xffff;
	v6 =	vor.u32 v55, v6  }
0x15d: {  	v59 =	vadd.s32 s12, v18;
	v15 =	vor.u32 v22, v15;
	v5 =	vor.u32 v55, v5;
	v50 =	vld.idx.msk [tilespmem:v14+s14+$0x0], $0xffff  }
0x15e: {  	v26 =	vmul.f32 $1.428571490e-01, v26;
	v28 =	vand.u32 $0xFFF8, v28;
	v29 =	vand.u32 $0xFFF8, v29;
	v16 =	vld.idx.msk [tilespmem:v16+s14+$0x0], $0xffff  }
0x15f: {  	v28 =	vor.u32 v23, v28;
	v29 =	vor.u32 v23, v29;
	v10 =	vand.u32 $0xFFF8, v33;
	v17 =	vld.idx.msk [tilespmem:v17+s14+$0x0], $0xffff  }
0x160: {  	v13 =	vadd.s32 s10, v52;
	v14 =	vadd.s32 s8, v63;
	v32 =	vld.idx.msk [tilespmem:v32+s14+$0x0], $0xffff;
	v10 =	vor.u32 v42, v10  }
0x161: {  	v33 =	vand.u32 $0xFFF8, v57;
	v13 =	vand.u32 $0xFFF8, v13;
	v14 =	vand.u32 $0xFFF8, v14;
	v6 =	vld.idx.msk [tilespmem:v6+s14+$0x0], $0xffff  }
0x162: {  	v5 =	vld.idx.msk [tilespmem:v5+s14+$0x0], $0xffff;
	v33 =	vor.u32 v44, v33;
	v13 =	vor.u32 v55, v13;
	v14 =	vor.u32 v22, v14  }
0x163: {  	v15 =	vld.idx.msk [tilespmem:v15+s14+$0x0], $0xffff;
	v60 =	vadd.s32 s15, v20;
	v4 =	vadd.f32 v8, v4;
	v2 =	vadd.f32 v3, v2  }
0x164: {  	v8 =	vld.idx.msk [tilespmem:v45+s14+$0x0], $0xffff;
	v3 =	vand.u32 $0xFFF8, v59;
	v0 =	vadd.f32 v1, v0;
	v45 =	vand.u32 $0xFFF8, v62  }
0x165: {  	v59 =	vadd.s32 s12, v19;
	v62 =	vadd.s32 s15, v25;
	v3 =	vor.u32 v23, v3;
	v10 =	vld.idx.msk [tilespmem:v10+s14+$0x0], $0xffff  }
0x166: {  	v29 =	vld.idx.msk [tilespmem:v29+s14+$0x0], $0xffff;
	v1 =	vor.u32 v23, v45;
	v31 =	vadd.f32 v32, v31;
	v6 =	vadd.f32 v7, v6  }
0x167: {  	v5 =	vadd.f32 v12, v5;
	v12 =	vadd.s32 s12, v20;
	v48 =	vld.idx.msk [tilespmem:v13+s14+$0x0], $0xffff;
	v13 =	vadd.s32 s9, v63  }
0x168: {  	v12 =	vand.u32 $0xFFF8, v12;
	v14 =	vld.idx.msk [tilespmem:v14+s14+$0x0], $0xffff;
	v13 =	vand.u32 $0xFFF8, v13;
	v6 =	vadd.f32 v9, v6  }
0x169: {  	v12 =	vor.u32 v44, v12;
	v5 =	vadd.f32 v30, v5;
	v30 =	vadd.s32 s4, v25;
	v9 =	vld.idx.msk [tilespmem:v46+s14+$0x0], $0xffff  }
0x16a: {  	v13 =	vor.u32 v22, v13;
	v10 =	vadd.f32 v11, v10;
	v4 =	vadd.f32 v6, v4;
	v6 =	vld.idx.msk [tilespmem:v47+s14+$0x0], $0xffff  }
0x16b: {  	v28 =	vld.idx.msk [tilespmem:v28+s14+$0x0], $0xffff;
	v8 =	vadd.f32 v8, v50;
	v30 =	vand.u32 $0xFFF8, v30;
	v50 =	vor.u32 s5, v19  }
0x16c: {  	v33 =	vld.idx.msk [tilespmem:v33+s14+$0x0], $0xffff;
	v11 =	vand.u32 $0xFFF8, v60;
	v27 =	vadd.f32 v4, v10;
	v4 =	vand.u32 $0xFFF8, v49  }
0x16d: {  	v3 =	vld.idx.msk [tilespmem:v3+s14+$0x0], $0xffff;
	v30 =	vor.u32 v42, v30;
	v11 =	vor.u32 v44, v11;
	v4 =	vor.u32 v44, v4  }
0x16e: {  	v1 =	vld.idx.msk [tilespmem:v1+s14+$0x0], $0xffff;
	v14 =	vadd.f32 v29, v14;
	v29 =	vadd.s32 s21, v19;
	v10 =	vand.u32 $0xFFF8, v61  }
0x16f: {  	v7 =	vld.idx.msk [tilespmem:v35+s14+$0x0], $0xffff;
	v9 =	vadd.f32 v16, v9;
	v6 =	vadd.f32 v6, v17;
	v17 =	vadd.s32 s15, v18  }
0x170: {  	v12 =	vld.idx.msk [tilespmem:v12+s14+$0x0], $0xffff;
	v16 =	vadd.s32 s18, v20;
	v10 =	vor.u32 v22, v10;
	v17 =	vand.u32 $0xFFF8, v17  }
0x171: {  	v29 =	vand.u32 $0xFFF8, v29;
	v13 =	vld.idx.msk [tilespmem:v13+s14+$0x0], $0xffff;
	v16 =	vand.u32 $0xFFF8, v16;
	v17 =	vor.u32 v23, v17  }
0x172: {  	v5 =	vadd.f32 v5, v14;
	v14 =	vadd.s32 s10, v25;
	v46 =	vor.u32 v44, v16;
	v4 =	vld.idx.msk [tilespmem:v4+s14+$0x0], $0xffff  }
0x173: {  	v1 =	vadd.f32 v1, v15;
	v15 =	vadd.s32 s8, v25;
	v57 =	vld.idx.msk [tilespmem:v30+s14+$0x0], $0xffff;
	v30 =	vadd.s32 s8, v19  }
0x174: {  	v14 =	vand.u32 $0xFFF8, v14;
	v15 =	vand.u32 $0xFFF8, v15;
	v30 =	vand.u32 $0xFFF8, v30;
	v11 =	vld.idx.msk [tilespmem:v11+s14+$0x0], $0xffff  }
0x175: {  	v14 =	vor.u32 v42, v14;
	v47 =	vor.u32 s7, v63;
	v7 =	vadd.f32 v7, v48;
	v10 =	vld.idx.msk [tilespmem:v10+s14+$0x0], $0xffff  }
0x176: {  	v8 =	vadd.f32 v12, v8;
	v12 =	vadd.s32 s4, v19;
	v49 =	vor.u32 s7, v20;
	v17 =	vld.idx.msk [tilespmem:v17+s14+$0x0], $0xffff  }
0x177: {  	v48 =	vor.u32 s7, v18;
	v12 =	vand.u32 $0xFFF8, v12;
	v2 =	vadd.f32 v4, v2;
	v4 =	vld.idx.msk [tilespmem:v46+s14+$0x0], $0xffff  }
0x178: {  	v58 =	vor.u32 v42, v15;
	v13 =	vadd.f32 v28, v13;
	v12 =	vor.u32 v43, v12;
	v16 =	vld.idx.msk [tilespmem:v34+s14+$0x0], $0xffff  }
0x179: {  	v50 =	vld.idx.msk [tilespmem:v50+s14+$0x0], $0xffff;
	v30 =	vor.u32 v43, v30;
	v28 =	vadd.s32 s21, v25;
	v7 =	vadd.f32 v33, v7  }
0x17a: {  	v9 =	vadd.f32 v11, v9;
	v33 =	vld.idx.msk [tilespmem:v47+s14+$0x0], $0xffff;
	v2 =	vadd.f32 v2, v13;
	v13 =	vadd.s32 s9, v19  }
0x17b: {  	v13 =	vand.u32 $0xFFF8, v13;
	v10 =	vadd.f32 v17, v10;
	v17 =	vor.u32 v43, v29;
	v29 =	vld.idx.msk [tilespmem:v49+s14+$0x0], $0xffff  }
0x17c: {  	v11 =	vld.idx.msk [tilespmem:v48+s14+$0x0], $0xffff;
	v13 =	vor.u32 v43, v13;
	v0 =	vadd.f32 v4, v0;
	v4 =	vand.u32 $0xFFF8, v51  }
0x17d: {  	s28 =	simm.s32 $0xF0;
	s23 =	simm.s32 $0x40;
	v28 =	vand.u32 $0xFFF8, v28;
	v12 =	vld.idx.msk [tilespmem:v12+s14+$0x0], $0xffff;
	v3 =	vadd.f32 v3, v16;
	v4 =	vor.u32 v42, v4  }
0x17e: {  	s16 =	simm.s32 $0x0;
	s19 =	simm.s32 $0x20;
	s17 =	simm.s32 $0x10;
	v14 =	vld.idx.msk [tilespmem:v14+s14+$0x0], $0xffff;
	v7 =	vadd.f32 v7, v31;
	v31 =	vadd.s32 s12, v25;
	v16 =	vor.u32 s5, v25  }
0x17f: {  	s0 =	sand.u32 $0x80, s16;
	s2 =	sand.u32 $0x90, s17;
	s26 =	sand.u32 $0xC0, s23;
	v28 =	vor.u32 v42, v28;
	v48 =	vand.u32 $0xFFF8, v31;
	v31 =	vld.idx.msk [tilespmem:v30+s14+$0x0], $0xffff;
	v44 =	vadd.f32 v8, v3  }
0x180: {  	s31 =	sand.u32 $0xF0, s22;
	s24 =	simm.s32 $0x50;
	s3 =	sand.u32 $0xA0, s19;
	v3 =	vand.u32 $0xFFF8, v59;
	v6 =	vadd.f32 v29, v6;
	v29 =	vld.idx.msk [tilespmem:v17+s14+$0x0], $0xffff;
	v17 =	vadd.s32 s10, v19  }
0x181: {  	s8 =	sand.u32 $0xD0, s24;
	v15 =	vmul.f32 $1.428571490e-01, v37;
	s4 =	sand.u32 $0xF00, s16;
	s21 =	simm.s32 $0x60;
	v3 =	vor.u32 v43, v3;
	v13 =	vld.idx.msk [tilespmem:v13+s14+$0x0], $0xffff;
	v60 =	vand.u32 $0xFFF8, v17  }
0x182: {  	s16 =	simm.s32 $0xD0;
	s4 =	sor.u32 $0xE0E0, s4;
	s6 =	sand.u32 $0xE0, s21;
	v11 =	vadd.f32 v11, v33;
	v12 =	vadd.f32 v12, v57;
	v4 =	vld.idx.msk [tilespmem:v4+s14+$0x0], $0xffff;
	v8 =	vor.u32 v43, v60  }
0x183: {  	s22 =	sadd.s32 s0, s4;
	s2 =	sadd.s32 s2, s4;
	s3 =	sadd.s32 s3, s4;
	v57 =	vor.u32 s7, v25;
	v61 =	vld.idx.msk [tilespmem:v16+s14+$0x0], $0xffff;
	v51 =	vadd.s32 s18, v25;
	v30 =	vadd.f32 v0, v1  }
0x184: {  	s24 =	sadd.s32 s8, s4;
	s23 =	sadd.s32 s31, s4;
	s21 =	simm.s32 $0xB0;
	v49 =	vld.idx.msk [tilespmem:v58+s14+$0x0], $0xffff;
	v1 =	vand.u32 $0xFFF8, v51;
	v17 =	vadd.f32 v9, v10;
	v10 =	vor.u32 v42, v48  }
0x185: {  	s31 =	simm.s32 $0xE0;
	s6 =	sadd.s32 s6, s4;
	v47 =	vadd.s32 s15, v19;
	v28 =	vld.idx.msk [tilespmem:v28+s14+$0x0], $0xffff;
	s5 =	simm.s32 $0x30;
	v1 =	vor.u32 v42, v1;
	v9 =	vand.u32 $0xFFF8, v62  }
0x186: {  	s12 =	simm.s32 $0xC0;
	s25 =	sand.u32 $0xB0, s5;
	s5 =	simm.s32 $0x80;
	v58 =	vor.u32 s7, v19;
	v3 =	vld.idx.msk [tilespmem:v3+s14+$0x0], $0xffff;
	v45 =	vadd.f32 v6, v11;
	v9 =	vor.u32 v42, v9  }
0x187: {  	s15 =	sand.u32 $0xE0, s31;
	s0 =	sadd.s32 s25, s4;
	s19 =	sand.u32 $0xF00, s5;
	v6 =	vand.u32 $0xFFF8, v47;
	v4 =	vadd.f32 v13, v4;
	v13 =	vadd.s32 s18, v19;
	v8 =	vld.idx.msk [tilespmem:v8+s14+$0x0], $0xffff  }
0x188: {  	[tilespmem:s2+$0x0] =	vst v26;
	s25 =	sadd.s32 s26, s4;
	s26 =	simm.s32 $0x8;
	v59 =	vmul.f32 $1.428571490e-01, v27;
	s11 =	sor.u32 $0xE0E0, s19;
	v16 =	vld.idx.msk [tilespmem:v57+s14+$0x0], $0xffff;
	v6 =	vor.u32 v43, v6;
	v13 =	vand.u32 $0xFFF8, v13  }
0x189: {  	s1 =	sand.u32 $0x80, s5;
	s19 =	sand.u32 $0xC0, s12;
	s17 =	sadd.s32 s15, s11;
	v0 =	vadd.f32 v50, v61;
	v11 =	vadd.f32 v31, v49;
	v10 =	vld.idx.msk [tilespmem:v10+s14+$0x0], $0xffff;
	v13 =	vor.u32 v43, v13  }
0x18a: {  	[tilespmem:s6+$0x0] =	vst v15;
	s29 =	sadd.s32 s1, s11;
	s12 =	sadd.s32 s19, s11;
	s9 =	simm.s32 $0x90;
	v61 =	vmul.f32 $1.428571490e-01, v40;
	v25 =	vld.idx.msk [tilespmem:v1+s14+$0x0], $0xffff;
	v31 =	vadd.f32 v29, v28;
	v2 =	vadd.f32 v2, v4  }
0x18b: {  	[tilespmem:s17+$0x0] =	vst v59;
	s4 =	sand.u32 $0x90, s9;
	s7 =	sand.u32 $0xD0, s16;
	v60 =	vadd.f32 v39, v36;
	v5 =	vadd.f32 v5, v11;
	v28 =	vmul.f32 $1.428571490e-01, v38;
	s18 =	simm.s32 $0xA0;
	v19 =	vld.idx.msk [tilespmem:v9+s14+$0x0], $0xffff  }
0x18c: {  	s31 =	sadd.s32 s4, s11;
	[tilespmem:s0+$0x0] =	vst v61;
	s0 =	sadd.s32 s7, s11;
	v27 =	vadd.f32 v24, v31;
	v24 =	vld.idx.msk [tilespmem:v58+s14+$0x0], $0xffff;
	s5 =	sand.u32 $0xA0, s18;
	v62 =	vmul.f32 $1.428571490e-01, v2;
	v8 =	vadd.f32 v8, v14  }
0x18d: {  	v26 =	vadd.f32 v21, v12;
	v32 =	vmul.f32 $1.428571490e-01, v60;
	[tilespmem:s3+$0x0] =	vst v28;
	v28 =	vadd.f32 v41, v0;
	s18 =	sand.u32 $0xB0, s21;
	s21 =	sand.u32 $0xF0, s28;
	s8 =	sadd.s32 s5, s11;
	v14 =	vld.idx.msk [tilespmem:v6+s14+$0x0], $0xffff  }
0x18e: {  	v33 =	vmul.f32 $1.428571490e-01, v5;
	s3 =	sadd.s32 s18, s11;
	s30 =	sadd.s32 s21, s11;
	s18 =	simm.s32 $0xA10;
	v15 =	vadd.f32 v3, v10;
	[tilespmem:s31+$0x0] =	vst v62;
	v29 =	vadd.f32 v7, v8;
	v21 =	vld.idx.msk [tilespmem:v13+s14+$0x0], $0xffff  }
.LBB2_5:
0x18f: {  	s1 =	sadd.s32 $0xFFFFFF90, s18;
	v49 =	vld [tilespmem:$0x1FF90]  }
0x190: {  	s16 =	sadd.s32 $0xFFFFFE40, s18;
	v46 =	vadd.s32 s18, v18;
	v8 =	vadd.s32 s1, v18  }
0x191: {  	v9 =	vadd.s32 s1, v20;
	v42 =	vadd.s32 s16, v20;
	v46 =	vand.u32 $0xFFF8, v46  }
0x192: {  	s19 =	sadd.s32 $0xFFFFFD60, s18;
	v29 =	vmul.f32 $1.428571490e-01, v29;
	v8 =	vand.u32 $0xFFF8, v8;
	v9 =	vand.u32 $0xFFF8, v9  }
0x193: {  	s7 =	sadd.s32 $0xFFFFFCF0, s18;
	v42 =	vand.u32 $0xFFF8, v42;
	v8 =	vor.u32 v23, v8;
	v47 =	vadd.s32 s19, v52  }
0x194: {  	[tilespmem:$0x1FE60] =	vst v25;
	s9 =	sadd.s32 $0xFFFFFDD0, s18;
	v25 =	vld [tilespmem:$0x1FFE0];
	v3 =	vadd.s32 s19, v54;
	v35 =	vor.u32 s7, v52;
	v9 =	vor.u32 v49, v9  }
0x195: {  	v62 =	vld [tilespmem:$0x1FF70];
	v4 =	vadd.s32 s1, v63;
	v5 =	vadd.s32 s9, v52;
	v41 =	vand.u32 v53, v35  }
0x196: {  	[tilespmem:$0x1FE80] =	vst v17;
	v17 =	vld [tilespmem:$0x1FF80];
	v6 =	vadd.s32 s1, v52;
	v4 =	vand.u32 $0xFFF8, v4;
	v42 =	vor.u32 v49, v42  }
0x197: {  	[tilespmem:$0x1FE50] =	vst v19;
	v19 =	vld [tilespmem:$0x1FFF0];
	v7 =	vadd.s32 s1, v54;
	v6 =	vand.u32 $0xFFF8, v6;
	v4 =	vor.u32 v22, v4  }
0x198: {  	v2 =	vmovc v30;
	v12 =	vadd.s32 s9, v54;
	v7 =	vand.u32 $0xFFF8, v7;
	v6 =	vor.u32 v55, v6;
	v8 =	vld.idx.msk [tilespmem:v8+s14+$0x0], $0xffff  }
0x199: {  	[tilespmem:$0x1FEA0] =	vst v2;
	v13 =	vadd.s32 s16, v52;
	v2 =	vand.u32 $0xFFF8, v47;
	v7 =	vor.u32 v56, v7;
	v9 =	vld.idx.msk [tilespmem:v9+s14+$0x0], $0xffff  }
0x19a: {  	[tilespmem:$0x1FE40] =	vst v14;
	s6 =	sadd.s32 $0xFFFFFEB0, s18;
	v14 =	vadd.s32 s16, v54;
	v3 =	vand.u32 $0xFFF8, v3;
	v2 =	vor.u32 v55, v2;
	v41 =	vld.idx.msk [tilespmem:v41+s14+$0x0], $0xffff  }
0x19b: {  	v30 =	vadd.s32 s6, v52;
	v5 =	vand.u32 $0xFFF8, v5;
	v3 =	vor.u32 v56, v3;
	v42 =	vld.idx.msk [tilespmem:v42+s14+$0x0], $0xffff  }
0x19c: {  	s10 =	sadd.s32 $0xFFFFFF20, s18;
	v57 =	vadd.s32 s6, v54;
	v12 =	vand.u32 $0xFFF8, v12;
	v5 =	vor.u32 v55, v5;
	v4 =	vld.idx.msk [tilespmem:v4+s14+$0x0], $0xffff  }
0x19d: {  	v58 =	vadd.s32 s10, v52;
	v13 =	vand.u32 $0xFFF8, v13;
	v59 =	vor.u32 v56, v12;
	v6 =	vld.idx.msk [tilespmem:v6+s14+$0x0], $0xffff  }
0x19e: {  	v14 =	vand.u32 $0xFFF8, v14;
	v30 =	vand.u32 $0xFFF8, v30;
	v12 =	vor.u32 v55, v13;
	v7 =	vld.idx.msk [tilespmem:v7+s14+$0x0], $0xffff  }
0x19f: {  	[tilespmem:s25+$0x0] =	vst v32;
	v32 =	vand.u32 $0xFFF8, v57;
	v13 =	vor.u32 v56, v14;
	v14 =	vor.u32 v55, v30;
	v30 =	vld.idx.msk [tilespmem:v2+s14+$0x0], $0xffff  }
0x1a0: {  	[tilespmem:s8+$0x0] =	vst v33;
	v34 =	vadd.s32 s10, v54;
	v33 =	vand.u32 $0xFFF8, v58;
	v60 =	vor.u32 v56, v32;
	v32 =	vld.idx.msk [tilespmem:v3+s14+$0x0], $0xffff  }
0x1a1: {  	v46 =	vor.u32 v23, v46;
	v34 =	vand.u32 $0xFFF8, v34;
	v61 =	vor.u32 v55, v33;
	v33 =	vld.idx.msk [tilespmem:v5+s14+$0x0], $0xffff  }
0x1a2: {  	v0 =	vadd.s32 s18, v52;
	v31 =	vadd.s32 s18, v63;
	v40 =	vor.u32 v56, v34;
	v34 =	vld.idx.msk [tilespmem:v59+s14+$0x0], $0xffff  }
0x1a3: {  	v1 =	vadd.s32 s18, v54;
	v50 =	vor.u32 s7, v54;
	v0 =	vand.u32 $0xFFF8, v0;
	v35 =	vld.idx.msk [tilespmem:v12+s14+$0x0], $0xffff  }
0x1a4: {  	v43 =	vadd.s32 s6, v63;
	v1 =	vand.u32 $0xFFF8, v1;
	v0 =	vor.u32 v55, v0;
	v36 =	vld.idx.msk [tilespmem:v13+s14+$0x0], $0xffff  }
0x1a5: {  	v51 =	vadd.s32 s19, v63;
	v43 =	vand.u32 $0xFFF8, v43;
	v1 =	vor.u32 v56, v1;
	v37 =	vld.idx.msk [tilespmem:v14+s14+$0x0], $0xffff  }
0x1a6: {  	v10 =	vadd.s32 s1, v25;
	v31 =	vand.u32 $0xFFF8, v31;
	v43 =	vor.u32 v22, v43;
	v38 =	vld.idx.msk [tilespmem:v60+s14+$0x0], $0xffff  }
0x1a7: {  	v57 =	vadd.s32 s6, v20;
	v10 =	vand.u32 $0xFFF8, v10;
	v31 =	vor.u32 v22, v31;
	v39 =	vld.idx.msk [tilespmem:v61+s14+$0x0], $0xffff  }
0x1a8: {  	[tilespmem:$0x1FE70] =	vst v44;
	v58 =	vadd.s32 s10, v63;
	v44 =	vand.u32 $0xFFF8, v57;
	v10 =	vor.u32 v62, v10;
	v40 =	vld.idx.msk [tilespmem:v40+s14+$0x0], $0xffff  }
0x1a9: {  	[tilespmem:$0x1FE90] =	vst v45;
	v45 =	vand.u32 $0xFFF8, v58;
	v11 =	vadd.s32 s1, v19;
	v44 =	vor.u32 v49, v44;
	v0 =	vld.idx.msk [tilespmem:v0+s14+$0x0], $0xffff  }
0x1aa: {  	v52 =	vadd.s32 s19, v18;
	v45 =	vor.u32 v22, v45;
	v11 =	vand.u32 $0xFFF8, v11;
	v1 =	vld.idx.msk [tilespmem:v1+s14+$0x0], $0xffff  }
0x1ab: {  	v54 =	vadd.s32 s9, v63;
	v53 =	vadd.s32 s19, v20;
	v11 =	vor.u32 v17, v11;
	v43 =	vld.idx.msk [tilespmem:v43+s14+$0x0], $0xffff  }
0x1ac: {  	v47 =	vor.u32 s7, v63;
	v12 =	vadd.s32 s16, v63;
	v3 =	vand.u32 $0xFFF8, v51;
	v31 =	vld.idx.msk [tilespmem:v31+s14+$0x0], $0xffff  }
0x1ad: {  	v13 =	vadd.s32 s16, v18;
	v5 =	vand.u32 $0xFFF8, v54;
	v10 =	vld.idx.msk [tilespmem:v10+s14+$0x0], $0xffff;
	v3 =	vor.u32 v22, v3  }
0x1ae: {  	v14 =	vadd.s32 s6, v18;
	v12 =	vand.u32 $0xFFF8, v12;
	v5 =	vor.u32 v22, v5;
	v44 =	vld.idx.msk [tilespmem:v44+s14+$0x0], $0xffff  }
0x1af: {  	v51 =	vadd.s32 s19, v19;
	v13 =	vand.u32 $0xFFF8, v13;
	v45 =	vld.idx.msk [tilespmem:v45+s14+$0x0], $0xffff;
	v12 =	vor.u32 v22, v12  }
0x1b0: {  	v14 =	vand.u32 $0xFFF8, v14;
	v13 =	vor.u32 v23, v13;
	v11 =	vld.idx.msk [tilespmem:v11+s14+$0x0], $0xffff;
	v30 =	vadd.f32 v32, v30  }
0x1b1: {  	v14 =	vor.u32 v23, v14;
	v32 =	vadd.f32 v34, v33;
	v33 =	vadd.f32 v36, v35;
	v35 =	vld.idx.msk [tilespmem:v46+s14+$0x0], $0xffff  }
0x1b2: {  	v55 =	vadd.s32 s9, v18;
	v56 =	vadd.s32 s9, v20;
	v51 =	vand.u32 $0xFFF8, v51;
	v3 =	vld.idx.msk [tilespmem:v3+s14+$0x0], $0xffff  }
0x1b3: {  	v58 =	vadd.s32 s10, v25;
	v54 =	vadd.s32 s16, v25;
	v51 =	vor.u32 v17, v51;
	v5 =	vld.idx.msk [tilespmem:v5+s14+$0x0], $0xffff  }
0x1b4: {  	v57 =	vadd.s32 s6, v19;
	v58 =	vand.u32 $0xFFF8, v58;
	v54 =	vand.u32 $0xFFF8, v54;
	v12 =	vld.idx.msk [tilespmem:v12+s14+$0x0], $0xffff  }
0x1b5: {  	v57 =	vand.u32 $0xFFF8, v57;
	v58 =	vor.u32 v62, v58;
	v54 =	vor.u32 v62, v54;
	v13 =	vld.idx.msk [tilespmem:v13+s14+$0x0], $0xffff  }
0x1b6: {  	v57 =	vor.u32 v17, v57;
	v60 =	vadd.s32 s10, v20;
	v61 =	vadd.s32 s18, v20;
	v14 =	vld.idx.msk [tilespmem:v14+s14+$0x0], $0xffff  }
0x1b7: {  	v6 =	vadd.f32 v7, v6;
	v4 =	vadd.f32 v8, v4;
	v7 =	vand.u32 $0xFFF8, v55;
	[tilespmem:s3+$0x0] =	vst v29;
	v29 =	vld.idx.msk [tilespmem:v47+s14+$0x0], $0xffff  }
0x1b8: {  	v8 =	vand.u32 $0xFFF8, v60;
	v46 =	vadd.f32 v40, v39;
	v7 =	vor.u32 v23, v7;
	v36 =	vld.idx.msk [tilespmem:v51+s14+$0x0], $0xffff  }
0x1b9: {  	v8 =	vor.u32 v49, v8;
	v6 =	vadd.f32 v9, v6;
	v9 =	vand.u32 $0xFFF8, v61;
	v51 =	vld [tilespmem:$0x1FE60]  }
0x1ba: {  	v48 =	vadd.f32 v11, v10;
	v10 =	vand.u32 $0xFFF8, v52;
	v9 =	vor.u32 v49, v9;
	v40 =	vld.idx.msk [tilespmem:v54+s14+$0x0], $0xffff  }
0x1bb: {  	v60 =	vadd.s32 s18, v25;
	v11 =	vand.u32 $0xFFF8, v56;
	v54 =	vld [tilespmem:$0x1FF40];
	v10 =	vor.u32 v23, v10  }
0x1bc: {  	v60 =	vand.u32 $0xFFF8, v60;
	v4 =	vadd.f32 v6, v4;
	v6 =	vld.idx.msk [tilespmem:v50+s14+$0x0], $0xffff;
	v11 =	vor.u32 v49, v11  }
0x1bd: {  	v59 =	vadd.s32 s10, v18;
	v61 =	vadd.s32 s18, v19;
	v60 =	vor.u32 v62, v60;
	v7 =	vld.idx.msk [tilespmem:v7+s14+$0x0], $0xffff  }
0x1be: {  	v47 =	vmul.f32 $1.428571490e-01, v27;
	v52 =	vadd.s32 s9, v25;
	v56 =	vadd.s32 s6, v25;
	v8 =	vld.idx.msk [tilespmem:v8+s14+$0x0], $0xffff  }
0x1bf: {  	v61 =	vand.u32 $0xFFF8, v61;
	v50 =	vadd.s32 s19, v25;
	v52 =	vand.u32 $0xFFF8, v52;
	v9 =	vld.idx.msk [tilespmem:v9+s14+$0x0], $0xffff  }
0x1c0: {  	s28 =	sadd.s32 $0x80, s28;
	v56 =	vand.u32 $0xFFF8, v56;
	v61 =	vor.u32 v17, v61;
	v52 =	vor.u32 v62, v52;
	v10 =	vld.idx.msk [tilespmem:v10+s14+$0x0], $0xffff  }
0x1c1: {  	s8 =	sadd.s32 $0xFFFFFF90, s28;
	v50 =	vand.u32 $0xFFF8, v50;
	v56 =	vor.u32 v62, v56;
	v2 =	vadd.f32 v4, v48;
	v11 =	vld.idx.msk [tilespmem:v11+s14+$0x0], $0xffff  }
0x1c2: {  	s11 =	sadd.s32 $0xFFFFFFF0, s28;
	s5 =	sand.u32 $0xF00, s8;
	v4 =	vand.u32 $0xFFF8, v53;
	v53 =	vadd.s32 s9, v19;
	[tilespmem:s23+$0x0] =	vst v47;
	v6 =	vadd.f32 v6, v41;
	v41 =	vld.idx.msk [tilespmem:v57+s14+$0x0], $0xffff  }
0x1c3: {  	s11 =	sand.u32 $0xE0, s11;
	s15 =	sor.u32 $0xE0E0, s5;
	v50 =	vor.u32 v62, v50;
	v62 =	vor.u32 s7, v25;
	v2 =	vmul.f32 $1.428571490e-01, v2;
	v25 =	vld.idx.msk [tilespmem:v60+s14+$0x0], $0xffff  }
0x1c4: {  	s11 =	sadd.s32 s11, s15;
	v34 =	vadd.f32 v38, v37;
	v4 =	vor.u32 v49, v4;
	v53 =	vand.u32 $0xFFF8, v53;
	v60 =	vld [tilespmem:$0x1FE80]  }
0x1c5: {  	v37 =	vadd.f32 v13, v12;
	v53 =	vor.u32 v17, v53;
	[tilespmem:s11+$0x0] =	vst v2;
	v2 =	vand.u32 $0xFFF8, v59;
	v13 =	vld.idx.msk [tilespmem:v52+s14+$0x0], $0xffff  }
0x1c6: {  	v52 =	vld [tilespmem:$0x1FF10];
	v2 =	vor.u32 v23, v2  }
0x1c7: {  	v48 =	vor.u32 s7, v18;
	v5 =	vadd.f32 v7, v5;
	v7 =	vadd.f32 v21, v51;
	v21 =	vld.idx.msk [tilespmem:v61+s14+$0x0], $0xffff  }
0x1c8: {  	v49 =	vor.u32 s7, v20;
	v61 =	vld [tilespmem:$0x1FE90]  }
0x1c9: {  	v26 =	vmul.f32 $1.428571490e-01, v26;
	v4 =	vld.idx.msk [tilespmem:v4+s14+$0x0], $0xffff  }
0x1ca: {  	v28 =	vmul.f32 $1.428571490e-01, v28;
	v55 =	vadd.s32 s16, v19;
	v38 =	vld.idx.msk [tilespmem:v53+s14+$0x0], $0xffff  }
0x1cb: {  	v55 =	vand.u32 $0xFFF8, v55;
	v2 =	vld.idx.msk [tilespmem:v2+s14+$0x0], $0xffff;
	[tilespmem:s24+$0x0] =	vst v26  }
0x1cc: {  	v0 =	vadd.f32 v1, v0;
	v55 =	vor.u32 v17, v55;
	v26 =	vld.idx.msk [tilespmem:v48+s14+$0x0], $0xffff;
	[tilespmem:s22+$0x0] =	vst v28  }
0x1cd: {  	v27 =	vadd.f32 v42, v33;
	v39 =	vadd.f32 v35, v31;
	v59 =	vadd.s32 s10, v19;
	v28 =	vld.idx.msk [tilespmem:v49+s14+$0x0], $0xffff  }
0x1ce: {  	v12 =	vadd.f32 v14, v43;
	v57 =	vadd.f32 v24, v16;
	v59 =	vand.u32 $0xFFF8, v59;
	v53 =	vld [tilespmem:$0x1FF20]  }
0x1cf: {  	v59 =	vor.u32 v17, v59;
	v3 =	vadd.f32 v10, v3;
	v10 =	vadd.f32 v27, v37;
	v27 =	vld.idx.msk [tilespmem:v56+s14+$0x0], $0xffff  }
0x1d0: {  	v4 =	vadd.f32 v4, v30;
	v30 =	vadd.f32 v44, v34;
	v34 =	vld.idx.msk [tilespmem:v50+s14+$0x0], $0xffff  }
0x1d1: {  	v8 =	vadd.f32 v8, v46;
	v11 =	vadd.f32 v11, v32;
	v49 =	vld [tilespmem:$0x1FE40]  }
0x1d2: {  	s26 =	sadd.s32 $0x8, s26;
	v50 =	vld [tilespmem:$0x1FE50];
	v14 =	vadd.f32 v26, v29;
	v6 =	vadd.f32 v28, v6  }
0x1d3: {  	s25 =	smov.u32 s12;
	p1 =	slt.u32 s26, $0xF8;
	s2 =	sadd.s32 $0xFFFFFFA0, s28;
	v0 =	vadd.f32 v9, v0;
	v5 =	vadd.f32 v11, v5;
	v26 =	vld.idx.msk [tilespmem:v55+s14+$0x0], $0xffff  }
0x1d4: {  	s4 =	sadd.s32 $0xFFFFFFB0, s28;
	s12 =	sadd.s32 $0xFFFFFFC0, s28;
	s17 =	sadd.s32 $0xFFFFFFD0, s28;
	v3 =	vadd.f32 v4, v3;
	v6 =	vadd.f32 v6, v14;
	v14 =	vld.idx.msk [tilespmem:v59+s14+$0x0], $0xffff  }
0x1d5: {  	s31 =	sadd.s32 $0xFFFFFFE0, s28;
	s2 =	sand.u32 $0x90, s2;
	s4 =	sand.u32 $0xA0, s4;
	v63 =	vor.u32 s7, v19;
	v12 =	vadd.f32 v30, v12;
	v4 =	vadd.f32 v38, v13;
	v59 =	vld [tilespmem:$0x1FE70]  }
0x1d6: {  	s21 =	sand.u32 $0xB0, s12;
	s5 =	sand.u32 $0xC0, s17;
	s1 =	sand.u32 $0x80, s8;
	v16 =	vld.idx.msk [tilespmem:v62+s14+$0x0], $0xffff;
	v30 =	vadd.f32 v0, v39;
	v48 =	vadd.f32 v36, v34  }
0x1d7: {  	s12 =	sadd.s32 s5, s15;
	s8 =	sadd.s32 s4, s15;
	s17 =	sadd.s32 s1, s15;
	v62 =	vld [tilespmem:$0x1FEA0];
	v2 =	vadd.f32 v2, v45;
	v4 =	vadd.f32 v5, v4  }
.Ltmp3:
0x1d8: {  	s1 =	sadd.s32 s2, s15;
	s2 =	sadd.s32 s21, s15;
	v56 =	vld [tilespmem:$0x1FF60];
	v1 =	vadd.f32 v49, v50;
	v0 =	vadd.f32 v3, v48;
	(pc) =	sbr.rel @p1 .LBB2_5-.Ltmp3, $4  }
0x1d9: {  	s3 =	smov.u32 s2;
	s11 =	sand.u32 $0xD0, s31;
	s31 =	sand.u32 $0xF0, s28;
	v19 =	vld.idx.msk [tilespmem:v58+s14+$0x0], $0xffff;
	v2 =	vadd.f32 v8, v2;
	v58 =	vadd.f32 v26, v40  }
0x1da: {  	s18 =	sadd.s32 $0x380, s18;
	s21 =	sadd.s32 s11, s15;
	s15 =	sadd.s32 s31, s15;
	v24 =	vld.idx.msk [tilespmem:v63+s14+$0x0], $0xffff;
	v28 =	vadd.f32 v61, v57;
	v0 =	vmul.f32 $1.428571490e-01, v0;
	v9 =	vadd.f32 v59, v15  }
0x1db: {  	s23 =	smov.u32 s30;
	s30 =	smov.u32 s15;
	s24 =	smov.u32 s0;
	v63 =	vld [tilespmem:$0x1FF30];
	v44 =	vmovc v12;
	v33 =	vmul.f32 $1.428571490e-01, v4;
	v17 =	vmovc v2;
	v26 =	vadd.f32 v60, v1;
	v29 =	vadd.f32 v10, v58  }
0x1dc: {  	s0 =	smov.u32 s21;
	s22 =	smov.u32 s29;
	s29 =	smov.u32 s17;
	v55 =	vld [tilespmem:$0x1FF50];
	v45 =	vmovc v6;
	[tilespmem:s1+$0x0] =	vst v0;
	v15 =	vadd.f32 v41, v27;
	v27 =	vadd.f32 v62, v7;
	v32 =	vmul.f32 $1.428571490e-01, v9  }
0x1dd: {  	[tilespmem:s8+$0x0] =	vst v33;
	v0 =	vmul.f32 $1.428571490e-01, v29  }
0x1de: {  	v1 =	vmul.f32 $1.428571490e-01, v26;
	[tilespmem:s25+$0x0] =	vst v32;
	v2 =	vadd.f32 v14, v19  }
0x1df: {  	v4 =	vadd.f32 v44, v15;
	[tilespmem:s3+$0x0] =	vst v0;
	v0 =	vmul.f32 $1.428571490e-01, v28;
	v3 =	vadd.f32 v24, v16  }
0x1e0: {  	v5 =	vadd.f32 v21, v25;
	[tilespmem:s24+$0x0] =	vst v1;
	v1 =	vmul.f32 $1.428571490e-01, v27;
	v2 =	vadd.f32 v17, v2  }
0x1e1: {  	[tilespmem:s22+$0x0] =	vst v0;
	v0 =	vadd.f32 v45, v3;
	v3 =	vmul.f32 $1.428571490e-01, v4  }
0x1e2: {  	[tilespmem:s23+$0x0] =	vst v1;
	v1 =	vadd.f32 v30, v5;
	v2 =	vmul.f32 $1.428571490e-01, v2  }
0x1e3: {  	[tilespmem:s12+$0x0] =	vst v3;
	v0 =	vmul.f32 $1.428571490e-01, v0  }
0x1e4: {  	v1 =	vmul.f32 $1.428571490e-01, v1;
	[tilespmem:s0+$0x0] =	vst v2  }
0x1e5: {  	s0 =	rddreg [dreg:$0xb];
	[tilespmem:s29+$0x0] =	vst v0  }
0x1e6: {  	s31 =	simm.s32 $0x0;
	[tilespmem:s30+$0x0] =	vst v1;
	s0 =	sshll.u32 s0, $0x9  }
0x1e7: {  	s2 =	simm.s32 $0x3;
	s1 =	rddreg [dreg:$0x4];
	s0 =	sand.u32 $0x1FFFFE00, s0  }
0x1e8: {  	s20 =	sadd.s32 $0x1, s20;
	s30 =	simm.s32 $0xE0E0;
	s0 =	sadd.s32 s1, s0  }
0x1e9: {  	[hbm4b:s0+s31] =	stream.linear.scatter [tilespmem:s30], [sflag:$0x3], $0x1000, $0x38;
	[tilespmem:$0xF0E0] =	vst v63  }
0x1ea: {  	p1 =	sne.s32 s20, $0x28;
	_ =	swait.ge [sflag:s2], $0x1000  }
.Ltmp4:
0x1eb: {  	v6 =	vld [tilespmem:$0x1FFE0];
	(pc) =	sbr.rel @p1 .LBB2_2-.Ltmp4, $4  }
0x1ec: {  	v7 =	vld [tilespmem:$0x1FFF0]  }
0x1ed: {  	v29 =	vld [tilespmem:$0x1FF70]  }
0x1ee: {  	[sflag:s2] =	ssyncset.done $0x0;
	v32 =	vld [tilespmem:$0x1FF80]  }
0x1ef: {  	v3 =	vmovc v23;
	v2 =	vmov v22;
	v0 =	vmov v18;
	v1 =	vmov v20;
	v4 =	vld [tilespmem:$0x1FF90];
	[sflag:s2] =	ssyncadd.s32 $0xFFFFF000  }
.Ltmp5:
0x1f0: {  	(pc) =	sbr.rel @p0 .LBB2_11-.Ltmp5, $4  }
0x1f1: {  	s0 =	simm.s32 $0x1  }
0x1f2: {  	_ =	swait.ge [sflag:s0], $0x7000  }
0x1f3: {  	[sflag:s0] =	ssyncset.done $0x0  }
0x1f4: {  	s1 =	rddreg [dreg:$0xa];
	[sflag:s0] =	ssyncadd.s32 $0xFFFF9000  }
0x1f5: {  	s20 =	simm.s32 $0x310  }
0x1f6: {  	s1 =	simm.s32 $0x70;
	s10 =	simm.s32 $0x2A0;
	v34 =	vadd.s32 s20, v52;
	v15 =	vadd.s32 s20, v63;
	v35 =	vadd.s32 s20, v54  }
0x1f7: {  	v37 =	vmovc v0;
	s6 =	simm.s32 $0xE0;
	v45 =	vadd.s32 s1, v52;
	v46 =	vadd.s32 s1, v54;
	v47 =	vadd.s32 s10, v63  }
0x1f8: {  	v38 =	vmovc v1;
	v42 =	vmovc v6;
	v5 =	vadd.s32 s6, v52;
	v48 =	vadd.s32 s10, v52;
	v49 =	vadd.s32 s10, v54  }
0x1f9: {  	v25 =	vmovc v7;
	s8 =	simm.s32 $0x150;
	v8 =	vadd.s32 s10, v37;
	v9 =	vadd.s32 s10, v38;
	v10 =	vadd.s32 s10, v42  }
0x1fa: {  	s7 =	simm.s32 $0x1C0;
	v11 =	vadd.s32 s10, v25;
	v12 =	vadd.s32 s6, v54;
	v13 =	vadd.s32 s8, v52  }
0x1fb: {  	s0 =	rddreg [dreg:$0x6];
	s15 =	simm.s32 $0x230;
	s16 =	simm.s32 $0x0;
	v14 =	vadd.s32 s8, v54;
	v16 =	vadd.s32 s7, v52;
	v17 =	vadd.s32 s7, v54  }
0x1fc: {  	[tilespmem:s31], [sflag:$0x3] =	stream.linear.gather [hbm4b:s0+s31], $0xE, $0x38;
	v18 =	vadd.s32 s15, v52;
	v19 =	vadd.s32 s15, v54;
	v20 =	vor.u32 s16, v52;
	[tilespmem:$0xF0E0] =	vst v63  }
0x1fd: {  	v59 =	vor.u32 s16, v54;
	v61 =	vadd.s32 s1, v38;
	v21 =	vadd.s32 s6, v38;
	_ =	swait.ge [sflag:s2], $0xE  }
0x1fe: {  	v39 =	vmovc v2;
	v41 =	vmovc v4;
	s3 =	simm.s32 $0xE;
	v22 =	vadd.s32 s8, v63;
	v23 =	vadd.s32 s8, v37;
	v4 =	vand.u32 $0x1FF8, v47;
	[sflag:s2] =	ssyncset.done $0x0  }
0x1ff: {  	s12 =	simm.s32 $0x1;
	v24 =	vadd.s32 s8, v38;
	v6 =	vand.u32 $0x1FF8, v48;
	v4 =	vor.u32 v39, v4;
	s11 =	rddreg [dreg:$0x3];
	[sflag:s2] =	ssyncadd.s32 $0xFFFFFFF2  }
0x200: {  	v62 =	vadd.s32 s7, v63;
	v7 =	vand.u32 $0x1FF8, v49;
	v6 =	vor.u32 v55, v6;
	[tilespmem:s13], [sflag:$0x1] =	stream.indirect.gather [hbm4b:s11+s3], $0x100, s31, s3, $0xb8;
	[tilespmem:$0xF0E0] =	vst v63  }
0x201: {  	v40 =	vmovc v3;
	v26 =	vadd.s32 s7, v37;
	v8 =	vand.u32 $0x1FF8, v8;
	v7 =	vor.u32 v56, v7;
	_ =	swait.ge [sflag:s12], $0xE00  }
0x202: {  	v27 =	vadd.s32 s7, v38;
	v9 =	vand.u32 $0x1FF8, v9;
	v8 =	vor.u32 v40, v8;
	[sflag:s12] =	ssyncset.done $0x0  }
0x203: {  	v28 =	vadd.s32 s15, v63;
	v10 =	vand.u32 $0x1FF8, v10;
	v9 =	vor.u32 v41, v9;
	[sflag:s12] =	ssyncadd.s32 $0xFFFFF200  }
0x204: {  	v30 =	vadd.s32 s15, v38;
	v11 =	vand.u32 $0x1FF8, v11;
	v10 =	vor.u32 v29, v10;
	v4 =	vld.idx.msk [tilespmem:v4+s13+$0x0], $0xffff  }
0x205: {  	v31 =	vadd.s32 s20, v37;
	v2 =	vand.u32 $0x1FF8, v45;
	v11 =	vor.u32 v32, v11;
	v6 =	vld.idx.msk [tilespmem:v6+s13+$0x0], $0xffff  }
0x206: {  	v36 =	vadd.s32 s20, v38;
	v3 =	vand.u32 $0x1FF8, v46;
	v2 =	vor.u32 v55, v2;
	v7 =	vld.idx.msk [tilespmem:v7+s13+$0x0], $0xffff  }
0x207: {  	v5 =	vand.u32 $0x1FF8, v5;
	v12 =	vand.u32 $0x1FF8, v12;
	v3 =	vor.u32 v56, v3;
	v8 =	vld.idx.msk [tilespmem:v8+s13+$0x0], $0xffff  }
0x208: {  	v13 =	vand.u32 $0x1FF8, v13;
	v14 =	vand.u32 $0x1FF8, v14;
	v5 =	vor.u32 v55, v5;
	v9 =	vld.idx.msk [tilespmem:v9+s13+$0x0], $0xffff  }
0x209: {  	v16 =	vand.u32 $0x1FF8, v16;
	v17 =	vand.u32 $0x1FF8, v17;
	v12 =	vor.u32 v56, v12;
	v10 =	vld.idx.msk [tilespmem:v10+s13+$0x0], $0xffff  }
0x20a: {  	v18 =	vand.u32 $0x1FF8, v18;
	v0 =	vand.u32 $0x1FF8, v34;
	v13 =	vor.u32 v55, v13;
	v11 =	vld.idx.msk [tilespmem:v11+s13+$0x0], $0xffff  }
0x20b: {  	v50 =	vor.u32 v56, v14;
	v14 =	vand.u32 $0x1FF8, v19;
	v16 =	vor.u32 v55, v16;
	v2 =	vld.idx.msk [tilespmem:v2+s13+$0x0], $0xffff  }
0x20c: {  	v1 =	vand.u32 $0x1FF8, v35;
	v21 =	vand.u32 $0x1FF8, v21;
	v14 =	vor.u32 v56, v14;
	v3 =	vld.idx.msk [tilespmem:v3+s13+$0x0], $0xffff  }
0x20d: {  	v22 =	vand.u32 $0x1FF8, v22;
	v51 =	vor.u32 v56, v17;
	v17 =	vand.u32 v53, v20;
	v5 =	vld.idx.msk [tilespmem:v5+s13+$0x0], $0xffff  }
0x20e: {  	v23 =	vand.u32 $0x1FF8, v23;
	v24 =	vand.u32 $0x1FF8, v24;
	v0 =	vor.u32 v55, v0;
	v12 =	vld.idx.msk [tilespmem:v12+s13+$0x0], $0xffff  }
0x20f: {  	v33 =	vand.u32 $0x1FF8, v62;
	v26 =	vand.u32 $0x1FF8, v26;
	v1 =	vor.u32 v56, v1;
	v58 =	vld.idx.msk [tilespmem:v13+s13+$0x0], $0xffff  }
0x210: {  	v27 =	vand.u32 $0x1FF8, v27;
	v28 =	vand.u32 $0x1FF8, v28;
	v21 =	vor.u32 v41, v21;
	v60 =	vld.idx.msk [tilespmem:v16+s13+$0x0], $0xffff  }
0x211: {  	v30 =	vand.u32 $0x1FF8, v30;
	v15 =	vand.u32 $0x1FF8, v15;
	v22 =	vor.u32 v39, v22;
	v14 =	vld.idx.msk [tilespmem:v14+s13+$0x0], $0xffff  }
0x212: {  	v31 =	vand.u32 $0x1FF8, v31;
	v45 =	vor.u32 s16, v63;
	v23 =	vor.u32 v40, v23;
	v17 =	vld.idx.msk [tilespmem:v17+s13+$0x0], $0xffff  }
0x213: {  	v46 =	vor.u32 s16, v37;
	v47 =	vor.u32 s16, v38;
	v24 =	vor.u32 v41, v24;
	v0 =	vld.idx.msk [tilespmem:v0+s13+$0x0], $0xffff  }
0x214: {  	s18 =	simm.s32 $0x690;
	v48 =	vadd.s32 s1, v25;
	v49 =	vadd.s32 s6, v42;
	v34 =	vor.u32 v39, v33;
	v1 =	vld.idx.msk [tilespmem:v1+s13+$0x0], $0xffff  }
0x215: {  	v62 =	vadd.s32 s18, v54;
	v57 =	vor.u32 v55, v18;
	v26 =	vor.u32 v40, v26;
	v21 =	vld.idx.msk [tilespmem:v21+s13+$0x0], $0xffff  }
0x216: {  	v44 =	vmovc v29;
	v19 =	vadd.s32 s1, v37;
	v20 =	vadd.s32 s6, v37;
	v29 =	vadd.s32 s15, v37;
	v22 =	vld.idx.msk [tilespmem:v22+s13+$0x0], $0xffff  }
0x217: {  	v43 =	vmovc v32;
	v27 =	vor.u32 v41, v27;
	v28 =	vor.u32 v39, v28;
	v32 =	vand.u32 $0x1FF8, v36;
	v23 =	vld.idx.msk [tilespmem:v23+s13+$0x0], $0xffff  }
0x218: {  	v30 =	vor.u32 v41, v30;
	v15 =	vor.u32 v39, v15;
	v32 =	vor.u32 v41, v32;
	v24 =	vld.idx.msk [tilespmem:v24+s13+$0x0], $0xffff  }
0x219: {  	v31 =	vor.u32 v40, v31;
	v19 =	vand.u32 $0x1FF8, v19;
	v20 =	vand.u32 $0x1FF8, v20;
	v35 =	vld.idx.msk [tilespmem:v34+s13+$0x0], $0xffff  }
0x21a: {  	v29 =	vand.u32 $0x1FF8, v29;
	v19 =	vor.u32 v40, v19;
	v20 =	vor.u32 v40, v20;
	v26 =	vld.idx.msk [tilespmem:v26+s13+$0x0], $0xffff  }
0x21b: {  	s19 =	simm.s32 $0x620;
	v29 =	vor.u32 v40, v29;
	v13 =	vadd.s32 s1, v63;
	v16 =	vadd.s32 s6, v63;
	v33 =	vld.idx.msk [tilespmem:v45+s13+$0x0], $0xffff  }
0x21c: {  	v34 =	vld.idx.msk [tilespmem:v46+s13+$0x0], $0xffff;
	v45 =	vadd.s32 s19, v52;
	v46 =	vadd.s32 s19, v54;
	v13 =	vand.u32 $0x1FF8, v13  }
0x21d: {  	v32 =	vld.idx.msk [tilespmem:v32+s13+$0x0], $0xffff;
	v16 =	vand.u32 $0x1FF8, v16;
	v13 =	vor.u32 v39, v13;
	v6 =	vadd.f32 v7, v6  }
0x21e: {  	v16 =	vor.u32 v39, v16;
	v4 =	vadd.f32 v8, v4;
	v10 =	vadd.f32 v11, v10;
	v7 =	vld.idx.msk [tilespmem:v50+s13+$0x0], $0xffff  }
0x21f: {  	v8 =	vld.idx.msk [tilespmem:v51+s13+$0x0], $0xffff;
	v2 =	vadd.f32 v3, v2;
	v5 =	vadd.f32 v12, v5;
	v12 =	vadd.s32 s1, v42  }
0x220: {  	v11 =	vld.idx.msk [tilespmem:v59+s13+$0x0], $0xffff;
	v50 =	vadd.s32 s8, v25;
	v0 =	vadd.f32 v1, v0;
	v51 =	vadd.s32 s7, v42  }
0x221: {  	v3 =	vld.idx.msk [tilespmem:v47+s13+$0x0], $0xffff;
	v47 =	vadd.s32 s19, v37;
	v12 =	vand.u32 $0x1FF8, v12;
	v1 =	vand.u32 $0x1FF8, v51  }
0x222: {  	v19 =	vld.idx.msk [tilespmem:v19+s13+$0x0], $0xffff;
	v6 =	vadd.f32 v9, v6;
	v12 =	vor.u32 v44, v12;
	v5 =	vadd.f32 v21, v5  }
0x223: {  	s9 =	simm.s32 $0x3F0;
	v20 =	vld.idx.msk [tilespmem:v20+s13+$0x0], $0xffff;
	v21 =	vadd.s32 s7, v25;
	v1 =	vor.u32 v44, v1;
	v0 =	vadd.f32 v32, v0  }
0x224: {  	v9 =	vld.idx.msk [tilespmem:v57+s13+$0x0], $0xffff;
	v32 =	vadd.s32 s9, v52;
	v21 =	vand.u32 $0x1FF8, v21;
	v4 =	vadd.f32 v6, v4  }
0x225: {  	v13 =	vld.idx.msk [tilespmem:v13+s13+$0x0], $0xffff;
	v6 =	vadd.f32 v7, v58;
	v11 =	vadd.f32 v11, v17;
	v17 =	vadd.s32 s6, v25  }
0x226: {  	v16 =	vld.idx.msk [tilespmem:v16+s13+$0x0], $0xffff;
	v7 =	vand.u32 $0x1FF8, v48;
	v48 =	vadd.s32 s19, v38;
	v18 =	vadd.f32 v4, v10  }
0x227: {  	v28 =	vld.idx.msk [tilespmem:v28+s13+$0x0], $0xffff;
	v10 =	vand.u32 $0x1FF8, v61;
	v4 =	vadd.f32 v8, v60;
	v8 =	vand.u32 $0x1FF8, v49  }
0x228: {  	v29 =	vld.idx.msk [tilespmem:v29+s13+$0x0], $0xffff;
	v7 =	vor.u32 v43, v7;
	v17 =	vand.u32 $0x1FF8, v17;
	v61 =	vadd.s32 s18, v52  }
0x229: {  	v49 =	vadd.s32 s19, v42;
	v10 =	vor.u32 v41, v10;
	v9 =	vadd.f32 v14, v9  }
0x22a: {  	v27 =	vld.idx.msk [tilespmem:v27+s13+$0x0], $0xffff;
	v14 =	vadd.s32 s8, v42;
	v8 =	vor.u32 v44, v8;
	v6 =	vadd.f32 v24, v6  }
0x22b: {  	v30 =	vld.idx.msk [tilespmem:v30+s13+$0x0], $0xffff;
	v17 =	vor.u32 v43, v17;
	v13 =	vadd.f32 v19, v13;
	v16 =	vadd.f32 v20, v16  }
0x22c: {  	s17 =	simm.s32 $0x460;
	v12 =	vld.idx.msk [tilespmem:v12+s13+$0x0], $0xffff;
	v19 =	vor.u32 v43, v21;
	v20 =	vadd.f32 v23, v22;
	v21 =	vadd.f32 v26, v35  }
0x22d: {  	s22 =	simm.s32 $0x5B0;
	s7 =	simm.s32 $0x380;
	v22 =	vadd.f32 v29, v28;
	v3 =	vadd.f32 v3, v11;
	v1 =	vld.idx.msk [tilespmem:v1+s13+$0x0], $0xffff;
	v35 =	vadd.s32 s17, v52  }
0x22e: {  	v28 =	vadd.s32 s22, v54;
	v29 =	vor.u32 s7, v52;
	v14 =	vand.u32 $0x1FF8, v14;
	v7 =	vld.idx.msk [tilespmem:v7+s13+$0x0], $0xffff  }
0x22f: {  	v4 =	vadd.f32 v27, v4;
	v27 =	vadd.s32 s22, v52;
	v28 =	vand.u32 $0x1FF8, v28;
	v10 =	vld.idx.msk [tilespmem:v10+s13+$0x0], $0xffff  }
0x230: {  	s21 =	simm.s32 $0x540;
	v18 =	vmul.f32 $1.428571490e-01, v18;
	v14 =	vor.u32 v44, v14;
	v9 =	vadd.f32 v30, v9;
	v8 =	vld.idx.msk [tilespmem:v8+s13+$0x0], $0xffff  }
0x231: {  	v5 =	vadd.f32 v5, v16;
	v6 =	vadd.f32 v6, v20;
	v16 =	vadd.s32 s21, v52;
	v17 =	vld.idx.msk [tilespmem:v17+s13+$0x0], $0xffff  }
0x232: {  	v27 =	vand.u32 $0x1FF8, v27;
	v30 =	vadd.s32 s17, v38;
	v20 =	vadd.f32 v4, v21;
	v57 =	vld.idx.msk [tilespmem:v19+s13+$0x0], $0xffff  }
0x233: {  	v16 =	vand.u32 $0x1FF8, v16;
	v30 =	vand.u32 $0x1FF8, v30;
	v21 =	vadd.f32 v9, v22  }
0x234: {  	v9 =	vand.u32 $0x1FF8, v48;
	v48 =	vadd.s32 s21, v37;
	v30 =	vor.u32 v41, v30  }
0x235: {  	s10 =	simm.s32 $0x4D0;
	v9 =	vor.u32 v41, v9;
	v58 =	vadd.f32 v7, v12;
	v7 =	vand.u32 $0x1FF8, v46  }
0x236: {  	v15 =	vld.idx.msk [tilespmem:v15+s13+$0x0], $0xffff;
	v12 =	vadd.s32 s17, v54;
	v46 =	vadd.s32 s10, v38;
	v2 =	vadd.f32 v10, v2  }
0x237: {  	v31 =	vld.idx.msk [tilespmem:v31+s13+$0x0], $0xffff;
	v10 =	vand.u32 $0x1FF8, v50;
	v59 =	vadd.f32 v17, v8;
	v36 =	vadd.f32 v57, v1  }
0x238: {  	v7 =	vor.u32 v56, v7;
	v8 =	vand.u32 $0x1FF8, v47;
	v50 =	vadd.s32 s19, v25  }
0x239: {  	v17 =	vadd.s32 s21, v54;
	v12 =	vand.u32 $0x1FF8, v12;
	v1 =	vand.u32 $0x1FF8, v62  }
0x23a: {  	v47 =	vadd.s32 s21, v63;
	v10 =	vor.u32 v43, v10;
	v8 =	vor.u32 v40, v8  }
0x23b: {  	v11 =	vand.u32 $0x1FF8, v50;
	v17 =	vand.u32 $0x1FF8, v17;
	v12 =	vor.u32 v56, v12  }
0x23c: {  	v1 =	vor.u32 v56, v1;
	v2 =	vadd.f32 v2, v13;
	v13 =	vld.idx.msk [tilespmem:v14+s13+$0x0], $0xffff;
	v14 =	vadd.f32 v31, v15  }
0x23d: {  	v50 =	vadd.s32 s22, v63;
	v15 =	vadd.f32 v34, v33;
	v19 =	vadd.f32 v5, v59  }
0x23e: {  	v30 =	vld.idx.msk [tilespmem:v30+s13+$0x0], $0xffff;
	v33 =	vadd.s32 s9, v54;
	v34 =	vadd.s32 s19, v63;
	v11 =	vor.u32 v43, v11  }
0x23f: {  	v9 =	vld.idx.msk [tilespmem:v9+s13+$0x0], $0xffff;
	v5 =	vand.u32 $0x1FF8, v35;
	v57 =	vor.u32 v56, v17;
	v17 =	vand.u32 v53, v29  }
0x240: {  	v59 =	vor.u32 s7, v54;
	v29 =	vadd.s32 s17, v37;
	v31 =	vadd.s32 s10, v63;
	v7 =	vld.idx.msk [tilespmem:v7+s13+$0x0], $0xffff  }
0x241: {  	v4 =	vand.u32 $0x1FF8, v34;
	v5 =	vor.u32 v55, v5;
	v29 =	vand.u32 $0x1FF8, v29;
	v10 =	vld.idx.msk [tilespmem:v10+s13+$0x0], $0xffff  }
0x242: {  	v31 =	vand.u32 $0x1FF8, v31;
	v34 =	vand.u32 $0x1FF8, v47;
	v47 =	vadd.s32 s22, v25;
	v8 =	vld.idx.msk [tilespmem:v8+s13+$0x0], $0xffff  }
0x243: {  	v23 =	vadd.f32 v3, v15;
	v24 =	vadd.f32 v0, v14;
	v4 =	vor.u32 v39, v4;
	v12 =	vld.idx.msk [tilespmem:v12+s13+$0x0], $0xffff  }
0x244: {  	v26 =	vadd.f32 v2, v58;
	v15 =	vadd.s32 s18, v63;
	v29 =	vor.u32 v40, v29;
	v1 =	vld.idx.msk [tilespmem:v1+s13+$0x0], $0xffff  }
0x245: {  	v14 =	vadd.s32 s10, v54;
	v2 =	vand.u32 $0x1FF8, v32;
	v31 =	vor.u32 v39, v31;
	v11 =	vld.idx.msk [tilespmem:v11+s13+$0x0], $0xffff  }
0x246: {  	v3 =	vand.u32 $0x1FF8, v33;
	v0 =	vand.u32 $0x1FF8, v61;
	v2 =	vor.u32 v55, v2;
	v17 =	vld.idx.msk [tilespmem:v17+s13+$0x0], $0xffff  }
0x247: {  	v58 =	vor.u32 v55, v27;
	v3 =	vor.u32 v56, v3;
	v14 =	vand.u32 $0x1FF8, v14;
	v5 =	vld.idx.msk [tilespmem:v5+s13+$0x0], $0xffff  }
0x248: {  	v51 =	vor.u32 v56, v14;
	v14 =	vor.u32 v55, v16;
	v4 =	vld.idx.msk [tilespmem:v4+s13+$0x0], $0xffff;
	v60 =	vadd.f32 v10, v13  }
0x249: {  	v61 =	vadd.s32 s9, v38;
	v33 =	vand.u32 $0x1FF8, v46;
	v0 =	vor.u32 v55, v0;
	v29 =	vld.idx.msk [tilespmem:v29+s13+$0x0], $0xffff  }
0x24a: {  	v33 =	vor.u32 v41, v33;
	v31 =	vld.idx.msk [tilespmem:v31+s13+$0x0], $0xffff;
	v22 =	vadd.f32 v6, v60;
	v6 =	vand.u32 $0x1FF8, v45  }
0x24b: {  	v34 =	vor.u32 v39, v34;
	v46 =	vadd.s32 s22, v42;
	v2 =	vld.idx.msk [tilespmem:v2+s13+$0x0], $0xffff;
	v6 =	vor.u32 v55, v6  }
0x24c: {  	v15 =	vand.u32 $0x1FF8, v15;
	v16 =	vor.u32 v56, v28;
	v28 =	vadd.s32 s9, v37;
	v3 =	vld.idx.msk [tilespmem:v3+s13+$0x0], $0xffff  }
0x24d: {  	v10 =	vand.u32 $0x1FF8, v49;
	v13 =	vadd.s32 s10, v52;
	v62 =	vld.idx.msk [tilespmem:v14+s13+$0x0], $0xffff;
	v14 =	vadd.s32 s17, v63  }
0x24e: {  	v0 =	vld.idx.msk [tilespmem:v0+s13+$0x0], $0xffff;
	v10 =	vor.u32 v44, v10;
	v13 =	vand.u32 $0x1FF8, v13;
	v14 =	vand.u32 $0x1FF8, v14  }
0x24f: {  	v33 =	vld.idx.msk [tilespmem:v33+s13+$0x0], $0xffff;
	v13 =	vor.u32 v55, v13;
	v5 =	vadd.f32 v12, v5;
	v12 =	vadd.s32 s21, v38  }
0x250: {  	v15 =	vor.u32 v39, v15;
	v14 =	vor.u32 v39, v14;
	v12 =	vand.u32 $0x1FF8, v12;
	v6 =	vld.idx.msk [tilespmem:v6+s13+$0x0], $0xffff  }
0x251: {  	v28 =	vand.u32 $0x1FF8, v28;
	v16 =	vld.idx.msk [tilespmem:v16+s13+$0x0], $0xffff;
	v45 =	vadd.s32 s10, v37;
	v12 =	vor.u32 v41, v12  }
0x252: {  	v28 =	vor.u32 v40, v28;
	v4 =	vadd.f32 v8, v4;
	v8 =	vld.idx.msk [tilespmem:v57+s13+$0x0], $0xffff;
	v32 =	vand.u32 $0x1FF8, v45  }
0x253: {  	v49 =	vadd.s32 s22, v38;
	v2 =	vadd.f32 v3, v2;
	v32 =	vor.u32 v40, v32;
	v10 =	vld.idx.msk [tilespmem:v10+s13+$0x0], $0xffff  }
0x254: {  	v3 =	vand.u32 $0x1FF8, v48;
	v5 =	vadd.f32 v30, v5;
	v30 =	vadd.s32 s15, v42;
	v60 =	vld.idx.msk [tilespmem:v13+s13+$0x0], $0xffff  }
0x255: {  	v0 =	vadd.f32 v1, v0;
	v30 =	vand.u32 $0x1FF8, v30;
	v14 =	vld.idx.msk [tilespmem:v14+s13+$0x0], $0xffff;
	v6 =	vadd.f32 v7, v6  }
0x256: {  	v3 =	vor.u32 v40, v3;
	v30 =	vor.u32 v44, v30;
	v13 =	vadd.s32 s9, v63;
	v12 =	vld.idx.msk [tilespmem:v12+s13+$0x0], $0xffff  }
0x257: {  	v13 =	vand.u32 $0x1FF8, v13;
	v8 =	vadd.f32 v8, v62;
	v7 =	vld.idx.msk [tilespmem:v51+s13+$0x0], $0xffff;
	v6 =	vadd.f32 v9, v6  }
0x258: {  	v13 =	vor.u32 v39, v13;
	v10 =	vadd.f32 v11, v10;
	v11 =	vand.u32 $0x1FF8, v49;
	v9 =	vld.idx.msk [tilespmem:v58+s13+$0x0], $0xffff  }
0x259: {  	v11 =	vor.u32 v41, v11;
	v51 =	vadd.s32 s18, v37;
	v4 =	vadd.f32 v6, v4;
	v6 =	vld.idx.msk [tilespmem:v59+s13+$0x0], $0xffff  }
0x25a: {  	v15 =	vld.idx.msk [tilespmem:v15+s13+$0x0], $0xffff;
	v14 =	vadd.f32 v29, v14;
	v29 =	vadd.s32 s20, v25;
	v57 =	vand.u32 $0x1FF8, v51  }
0x25b: {  	v32 =	vld.idx.msk [tilespmem:v32+s13+$0x0], $0xffff;
	v1 =	vor.u32 v40, v57;
	v27 =	vadd.f32 v4, v10;
	v4 =	vand.u32 $0x1FF8, v61  }
0x25c: {  	v28 =	vld.idx.msk [tilespmem:v28+s13+$0x0], $0xffff;
	v62 =	vor.u32 s16, v25;
	v29 =	vand.u32 $0x1FF8, v29;
	v4 =	vor.u32 v41, v4  }
0x25d: {  	v3 =	vld.idx.msk [tilespmem:v3+s13+$0x0], $0xffff;
	v8 =	vadd.f32 v12, v8;
	v12 =	vadd.s32 s15, v25;
	v10 =	vand.u32 $0x1FF8, v50  }
0x25e: {  	v13 =	vld.idx.msk [tilespmem:v13+s13+$0x0], $0xffff;
	v9 =	vadd.f32 v16, v9;
	v6 =	vadd.f32 v6, v17;
	v17 =	vadd.s32 s22, v37  }
0x25f: {  	v11 =	vld.idx.msk [tilespmem:v11+s13+$0x0], $0xffff;
	v16 =	vadd.s32 s18, v38;
	v10 =	vor.u32 v39, v10;
	v17 =	vand.u32 $0x1FF8, v17  }
0x260: {  	v31 =	vadd.f32 v32, v31;
	v1 =	vld.idx.msk [tilespmem:v1+s13+$0x0], $0xffff;
	v16 =	vand.u32 $0x1FF8, v16;
	v17 =	vor.u32 v40, v17  }
0x261: {  	v5 =	vadd.f32 v5, v14;
	v14 =	vadd.s32 s10, v42;
	v58 =	vor.u32 v41, v16;
	v4 =	vld.idx.msk [tilespmem:v4+s13+$0x0], $0xffff  }
0x262: {  	v12 =	vand.u32 $0x1FF8, v12;
	v14 =	vand.u32 $0x1FF8, v14;
	v61 =	vor.u32 s7, v38;
	v38 =	vld.idx.msk [tilespmem:v30+s13+$0x0], $0xffff  }
0x263: {  	v12 =	vor.u32 v43, v12;
	v14 =	vor.u32 v44, v14;
	v7 =	vadd.f32 v7, v60;
	v16 =	vld.idx.msk [tilespmem:v34+s13+$0x0], $0xffff  }
0x264: {  	v59 =	vor.u32 s7, v63;
	v60 =	vor.u32 s7, v37;
	v13 =	vadd.f32 v28, v13;
	v10 =	vld.idx.msk [tilespmem:v10+s13+$0x0], $0xffff  }
0x265: {  	v28 =	vadd.s32 s20, v42;
	v7 =	vadd.f32 v33, v7;
	v30 =	vadd.s32 s17, v25;
	v17 =	vld.idx.msk [tilespmem:v17+s13+$0x0], $0xffff  }
0x266: {  	v30 =	vand.u32 $0x1FF8, v30;
	v9 =	vadd.f32 v11, v9;
	v2 =	vadd.f32 v4, v2;
	v4 =	vld.idx.msk [tilespmem:v58+s13+$0x0], $0xffff  }
0x267: {  	v37 =	vadd.s32 s9, v42;
	v30 =	vor.u32 v43, v30;
	v7 =	vadd.f32 v7, v31  }
0x268: {  	v50 =	vld.idx.msk [tilespmem:v62+s13+$0x0], $0xffff;
	v1 =	vadd.f32 v1, v15;
	v15 =	vadd.s32 s17, v42;
	v3 =	vadd.f32 v3, v16  }
0x269: {  	v12 =	vld.idx.msk [tilespmem:v12+s13+$0x0], $0xffff;
	v16 =	vor.u32 s16, v42;
	v2 =	vadd.f32 v2, v13;
	v13 =	vadd.s32 s9, v25  }
0x26a: {  	v13 =	vand.u32 $0x1FF8, v13;
	v10 =	vadd.f32 v17, v10;
	v17 =	vor.u32 v43, v29;
	v29 =	vld.idx.msk [tilespmem:v61+s13+$0x0], $0xffff  }
0x26b: {  	v33 =	vld.idx.msk [tilespmem:v59+s13+$0x0], $0xffff;
	v13 =	vor.u32 v43, v13;
	v0 =	vadd.f32 v4, v0;
	v4 =	vand.u32 $0x1FF8, v37  }
0x26c: {  	s23 =	simm.s32 $0x70;
	s24 =	simm.s32 $0x0;
	s25 =	simm.s32 $0x10;
	v31 =	vadd.s32 s21, v42;
	v11 =	vld.idx.msk [tilespmem:v60+s13+$0x0], $0xffff;
	v15 =	vand.u32 $0x1FF8, v15;
	v4 =	vor.u32 v44, v4  }
0x26d: {  	s4 =	simm.s32 $0x20;
	s26 =	simm.s32 $0x30;
	s29 =	simm.s32 $0x60;
	v28 =	vand.u32 $0x1FF8, v28;
	v48 =	vand.u32 $0x1FF8, v31;
	v39 =	vor.u32 v44, v15;
	v31 =	vld.idx.msk [tilespmem:v30+s13+$0x0], $0xffff  }
0x26e: {  	s30 =	simm.s32 $0x40;
	s5 =	sand.u32 $0x100, s24;
	s4 =	sand.u32 $0xA0, s4;
	v28 =	vor.u32 v44, v28;
	v40 =	vadd.s32 s21, v25;
	v15 =	vadd.f32 v8, v3;
	v45 =	vld.idx.msk [tilespmem:v16+s13+$0x0], $0xffff  }
0x26f: {  	s5 =	sor.u32 $0xE0E0, s5;
	s2 =	sand.u32 $0x80, s24;
	s11 =	simm.s32 $0x50;
	v3 =	vand.u32 $0x1FF8, v40;
	v6 =	vadd.f32 v29, v6;
	v29 =	vld.idx.msk [tilespmem:v17+s13+$0x0], $0xffff;
	v17 =	vadd.s32 s10, v25  }
0x270: {  	s24 =	simm.s32 $0x8;
	s3 =	sand.u32 $0x90, s25;
	s12 =	sand.u32 $0xB0, s26;
	v26 =	vmul.f32 $1.428571490e-01, v26;
	v3 =	vor.u32 v43, v3;
	v13 =	vld.idx.msk [tilespmem:v13+s13+$0x0], $0xffff;
	v41 =	vand.u32 $0x1FF8, v17  }
0x271: {  	s25 =	simm.s32 $0xF0;
	s26 =	simm.s32 $0xA0;
	s0 =	sadd.s32 s12, s5;
	v51 =	vadd.s32 s18, v42;
	v11 =	vadd.f32 v11, v33;
	v4 =	vld.idx.msk [tilespmem:v4+s13+$0x0], $0xffff;
	v8 =	vor.u32 v43, v41  }
0x272: {  	s12 =	simm.s32 $0xE0;
	s19 =	simm.s32 $0x90;
	s15 =	sand.u32 $0xC0, s30;
	v49 =	vld.idx.msk [tilespmem:v39+s13+$0x0], $0xffff;
	v16 =	vadd.f32 v9, v10;
	v10 =	vor.u32 v44, v48;
	v9 =	vand.u32 $0x1FF8, v46  }
0x273: {  	s30 =	simm.s32 $0xB0;
	s20 =	sadd.s32 s2, s5;
	s17 =	sadd.s32 s3, s5;
	v28 =	vld.idx.msk [tilespmem:v28+s13+$0x0], $0xffff;
	v30 =	vadd.f32 v0, v1;
	v9 =	vor.u32 v44, v9;
	v1 =	vand.u32 $0x1FF8, v51  }
0x274: {  	v57 =	vor.u32 s7, v42;
	v14 =	vld.idx.msk [tilespmem:v14+s13+$0x0], $0xffff;
	v60 =	vadd.f32 v20, v36;
	s3 =	sadd.s32 s4, s5;
	s4 =	sand.u32 $0x90, s19;
	s16 =	sand.u32 $0xF0, s23;
	v1 =	vor.u32 v44, v1  }
0x275: {  	s23 =	sadd.s32 s15, s5;
	s21 =	sadd.s32 s16, s5;
	s16 =	simm.s32 $0xD0;
	v58 =	vor.u32 s7, v25;
	v3 =	vld.idx.msk [tilespmem:v3+s13+$0x0], $0xffff;
	v0 =	vadd.f32 v50, v45;
	v17 =	vadd.f32 v6, v11  }
0x276: {  	s15 =	sand.u32 $0xE0, s12;
	s7 =	sand.u32 $0xD0, s16;
	s9 =	sand.u32 $0xE0, s29;
	v6 =	vand.u32 $0x1FF8, v47;
	v4 =	vadd.f32 v13, v4;
	v13 =	vadd.s32 s18, v25;
	v8 =	vld.idx.msk [tilespmem:v8+s13+$0x0], $0xffff  }
0x277: {  	s8 =	sadd.s32 s9, s5;
	s9 =	sand.u32 $0xD0, s11;
	s11 =	simm.s32 $0xC0;
	v11 =	vadd.f32 v31, v49;
	v10 =	vld.idx.msk [tilespmem:v10+s13+$0x0], $0xffff;
	v6 =	vor.u32 v43, v6;
	v13 =	vand.u32 $0x1FF8, v13  }
0x278: {  	s22 =	sadd.s32 s9, s5;
	[tilespmem:s8+$0x0] =	vst v18;
	s5 =	sand.u32 $0xA0, s26;
	v18 =	vld.idx.msk [tilespmem:v9+s13+$0x0], $0xffff;
	v31 =	vadd.f32 v29, v28;
	v28 =	vmul.f32 $1.428571490e-01, v19;
	s18 =	simm.s32 $0x80;
	v13 =	vor.u32 v43, v13  }
0x279: {  	v12 =	vadd.f32 v12, v38;
	[tilespmem:s17+$0x0] =	vst v26;
	s19 =	sand.u32 $0xC0, s11;
	v61 =	vmul.f32 $1.428571490e-01, v22;
	v20 =	vld.idx.msk [tilespmem:v1+s13+$0x0], $0xffff;
	s29 =	sand.u32 $0x100, s18;
	s1 =	sand.u32 $0x80, s18;
	v2 =	vadd.f32 v2, v4  }
0x27a: {  	v59 =	vmul.f32 $1.428571490e-01, v27;
	v5 =	vadd.f32 v5, v11;
	[tilespmem:s3+$0x0] =	vst v28;
	v28 =	vadd.f32 v23, v0;
	v23 =	vld.idx.msk [tilespmem:v57+s13+$0x0], $0xffff;
	s18 =	sand.u32 $0xB0, s30;
	s6 =	sor.u32 $0xE0E0, s29;
	s29 =	sand.u32 $0xF0, s25  }
0x27b: {  	[tilespmem:s0+$0x0] =	vst v61;
	v27 =	vadd.f32 v24, v31;
	v24 =	vld.idx.msk [tilespmem:v58+s13+$0x0], $0xffff;
	s17 =	sadd.s32 s15, s6;
	s26 =	sadd.s32 s1, s6;
	s30 =	sadd.s32 s4, s6;
	v62 =	vmul.f32 $1.428571490e-01, v2;
	v8 =	vadd.f32 v8, v14  }
0x27c: {  	v32 =	vmul.f32 $1.428571490e-01, v60;
	v26 =	vadd.f32 v21, v12;
	v19 =	vld.idx.msk [tilespmem:v6+s13+$0x0], $0xffff;
	s8 =	sadd.s32 s5, s6;
	s3 =	sadd.s32 s18, s6;
	s12 =	sadd.s32 s19, s6;
	[tilespmem:s17+$0x0] =	vst v59  }
0x27d: {  	v33 =	vmul.f32 $1.428571490e-01, v5;
	v22 =	vadd.f32 v3, v10;
	s0 =	sadd.s32 s7, s6;
	s28 =	sadd.s32 s29, s6;
	s18 =	simm.s32 $0xA10;
	[tilespmem:s30+$0x0] =	vst v62;
	v29 =	vadd.f32 v7, v8;
	v21 =	vld.idx.msk [tilespmem:v13+s13+$0x0], $0xffff  }
.LBB2_9:
0x27e: {  	[tilespmem:$0x1FE10] =	vst v15;
	v15 =	vld [tilespmem:$0x1FF80]  }
0x27f: {  	s1 =	sadd.s32 $0xFFFFFF90, s18  }
0x280: {  	v47 =	vld [tilespmem:$0x1FFC0];
	v11 =	vadd.s32 s1, v25  }
0x281: {  	s19 =	sadd.s32 $0xFFFFFD60, s18;
	v29 =	vmul.f32 $1.428571490e-01, v29;
	v26 =	vmul.f32 $1.428571490e-01, v26;
	v11 =	vand.u32 $0x1FF8, v11  }
0x282: {  	s9 =	sadd.s32 $0xFFFFFDD0, s18;
	s7 =	sadd.s32 $0xFFFFFCF0, s18;
	v48 =	vld [tilespmem:$0x1FFA0];
	v43 =	vadd.s32 s19, v52;
	v3 =	vadd.s32 s19, v54;
	v4 =	vadd.s32 s1, v63  }
0x283: {  	v49 =	vld [tilespmem:$0x1FFB0];
	v5 =	vadd.s32 s9, v52;
	v35 =	vor.u32 s7, v52;
	v11 =	vor.u32 v15, v11  }
0x284: {  	v62 =	vld [tilespmem:$0x1FFE0];
	v6 =	vadd.s32 s1, v52;
	v4 =	vand.u32 $0x1FF8, v4;
	v41 =	vand.u32 v53, v35  }
0x285: {  	v50 =	vld [tilespmem:$0x1FFD0];
	v7 =	vadd.s32 s1, v54;
	v6 =	vand.u32 $0x1FF8, v6;
	v4 =	vor.u32 v47, v4  }
0x286: {  	[tilespmem:$0x1FE20] =	vst v16;
	v2 =	vmovc v30;
	s16 =	sadd.s32 $0xFFFFFE40, s18;
	v51 =	vld [tilespmem:$0x1FF90];
	v12 =	vadd.s32 s9, v54;
	v7 =	vand.u32 $0x1FF8, v7;
	v6 =	vor.u32 v55, v6  }
0x287: {  	v16 =	vld [tilespmem:$0x1FF70];
	[tilespmem:$0x1FE30] =	vst v2;
	v13 =	vadd.s32 s16, v52;
	v2 =	vand.u32 $0x1FF8, v43;
	v7 =	vor.u32 v56, v7  }
0x288: {  	s6 =	sadd.s32 $0xFFFFFEB0, s18;
	v14 =	vadd.s32 s16, v54;
	v3 =	vand.u32 $0x1FF8, v3;
	v2 =	vor.u32 v55, v2;
	v11 =	vld.idx.msk [tilespmem:v11+s13+$0x0], $0xffff  }
0x289: {  	v30 =	vadd.s32 s6, v52;
	v5 =	vand.u32 $0x1FF8, v5;
	v3 =	vor.u32 v56, v3;
	v41 =	vld.idx.msk [tilespmem:v41+s13+$0x0], $0xffff  }
0x28a: {  	s10 =	sadd.s32 $0xFFFFFF20, s18;
	v57 =	vadd.s32 s6, v54;
	v12 =	vand.u32 $0x1FF8, v12;
	v5 =	vor.u32 v55, v5;
	v4 =	vld.idx.msk [tilespmem:v4+s13+$0x0], $0xffff  }
0x28b: {  	v58 =	vadd.s32 s10, v52;
	v13 =	vand.u32 $0x1FF8, v13;
	v59 =	vor.u32 v56, v12;
	v6 =	vld.idx.msk [tilespmem:v6+s13+$0x0], $0xffff  }
0x28c: {  	v14 =	vand.u32 $0x1FF8, v14;
	v30 =	vand.u32 $0x1FF8, v30;
	v12 =	vor.u32 v55, v13;
	v7 =	vld.idx.msk [tilespmem:v7+s13+$0x0], $0xffff  }
0x28d: {  	[tilespmem:s23+$0x0] =	vst v32;
	v32 =	vand.u32 $0x1FF8, v57;
	v13 =	vor.u32 v56, v14;
	v14 =	vor.u32 v55, v30;
	v30 =	vld.idx.msk [tilespmem:v2+s13+$0x0], $0xffff  }
0x28e: {  	[tilespmem:s8+$0x0] =	vst v33;
	v34 =	vadd.s32 s10, v54;
	v33 =	vand.u32 $0x1FF8, v58;
	v60 =	vor.u32 v56, v32;
	v32 =	vld.idx.msk [tilespmem:v3+s13+$0x0], $0xffff  }
0x28f: {  	v28 =	vmul.f32 $1.428571490e-01, v28;
	v34 =	vand.u32 $0x1FF8, v34;
	v61 =	vor.u32 v55, v33;
	v33 =	vld.idx.msk [tilespmem:v5+s13+$0x0], $0xffff  }
0x290: {  	v0 =	vadd.s32 s18, v52;
	v31 =	vadd.s32 s18, v63;
	v40 =	vor.u32 v56, v34;
	v34 =	vld.idx.msk [tilespmem:v59+s13+$0x0], $0xffff  }
0x291: {  	v1 =	vadd.s32 s18, v54;
	v52 =	vor.u32 s7, v54;
	v0 =	vand.u32 $0x1FF8, v0;
	v35 =	vld.idx.msk [tilespmem:v12+s13+$0x0], $0xffff  }
0x292: {  	v45 =	vadd.s32 s10, v63;
	v1 =	vand.u32 $0x1FF8, v1;
	v0 =	vor.u32 v55, v0;
	v36 =	vld.idx.msk [tilespmem:v13+s13+$0x0], $0xffff  }
0x293: {  	v8 =	vadd.s32 s1, v48;
	v45 =	vand.u32 $0x1FF8, v45;
	v1 =	vor.u32 v56, v1;
	v37 =	vld.idx.msk [tilespmem:v14+s13+$0x0], $0xffff  }
0x294: {  	v9 =	vadd.s32 s1, v49;
	v31 =	vand.u32 $0x1FF8, v31;
	v45 =	vor.u32 v47, v45;
	v38 =	vld.idx.msk [tilespmem:v60+s13+$0x0], $0xffff  }
0x295: {  	v10 =	vadd.s32 s1, v62;
	v8 =	vand.u32 $0x1FF8, v8;
	v31 =	vor.u32 v47, v31;
	v39 =	vld.idx.msk [tilespmem:v61+s13+$0x0], $0xffff  }
0x296: {  	v53 =	vadd.s32 s19, v63;
	v9 =	vand.u32 $0x1FF8, v9;
	v8 =	vor.u32 v50, v8;
	v40 =	vld.idx.msk [tilespmem:v40+s13+$0x0], $0xffff  }
0x297: {  	v42 =	vadd.s32 s16, v49;
	v10 =	vand.u32 $0x1FF8, v10;
	v9 =	vor.u32 v51, v9;
	v0 =	vld.idx.msk [tilespmem:v0+s13+$0x0], $0xffff  }
0x298: {  	v43 =	vadd.s32 s6, v63;
	v42 =	vand.u32 $0x1FF8, v42;
	v10 =	vor.u32 v16, v10;
	v1 =	vld.idx.msk [tilespmem:v1+s13+$0x0], $0xffff  }
0x299: {  	v44 =	vadd.s32 s6, v49;
	v43 =	vand.u32 $0x1FF8, v43;
	v42 =	vor.u32 v51, v42;
	v45 =	vld.idx.msk [tilespmem:v45+s13+$0x0], $0xffff  }
0x29a: {  	v54 =	vadd.s32 s19, v48;
	v44 =	vand.u32 $0x1FF8, v44;
	v43 =	vor.u32 v47, v43;
	v31 =	vld.idx.msk [tilespmem:v31+s13+$0x0], $0xffff  }
0x29b: {  	v56 =	vadd.s32 s9, v63;
	v44 =	vor.u32 v51, v44;
	v3 =	vand.u32 $0x1FF8, v53;
	v8 =	vld.idx.msk [tilespmem:v8+s13+$0x0], $0xffff  }
0x29c: {  	v12 =	vadd.s32 s16, v63;
	v5 =	vand.u32 $0x1FF8, v56;
	v9 =	vld.idx.msk [tilespmem:v9+s13+$0x0], $0xffff;
	v3 =	vor.u32 v47, v3  }
0x29d: {  	v13 =	vadd.s32 s16, v48;
	v10 =	vld.idx.msk [tilespmem:v10+s13+$0x0], $0xffff;
	v12 =	vand.u32 $0x1FF8, v12;
	v5 =	vor.u32 v47, v5  }
0x29e: {  	v14 =	vadd.s32 s6, v48;
	v13 =	vand.u32 $0x1FF8, v13;
	v42 =	vld.idx.msk [tilespmem:v42+s13+$0x0], $0xffff;
	v12 =	vor.u32 v47, v12  }
0x29f: {  	v57 =	vadd.s32 s9, v48;
	v14 =	vand.u32 $0x1FF8, v14;
	v43 =	vld.idx.msk [tilespmem:v43+s13+$0x0], $0xffff;
	v13 =	vor.u32 v50, v13  }
0x2a0: {  	v58 =	vadd.s32 s9, v49;
	v60 =	vadd.s32 s10, v49;
	v44 =	vld.idx.msk [tilespmem:v44+s13+$0x0], $0xffff;
	v14 =	vor.u32 v50, v14  }
0x2a1: {  	v61 =	vadd.s32 s18, v49;
	v47 =	vor.u32 s7, v63;
	v6 =	vadd.f32 v7, v6;
	v3 =	vld.idx.msk [tilespmem:v3+s13+$0x0], $0xffff  }
0x2a2: {  	v7 =	vand.u32 $0x1FF8, v57;
	v4 =	vadd.f32 v8, v4;
	v46 =	vadd.f32 v11, v10;
	v5 =	vld.idx.msk [tilespmem:v5+s13+$0x0], $0xffff  }
0x2a3: {  	v10 =	vand.u32 $0x1FF8, v54;
	v7 =	vor.u32 v50, v7;
	v6 =	vadd.f32 v9, v6;
	v12 =	vld.idx.msk [tilespmem:v12+s13+$0x0], $0xffff  }
0x2a4: {  	v11 =	vand.u32 $0x1FF8, v58;
	v8 =	vand.u32 $0x1FF8, v60;
	v10 =	vor.u32 v50, v10;
	v13 =	vld.idx.msk [tilespmem:v13+s13+$0x0], $0xffff  }
0x2a5: {  	v9 =	vand.u32 $0x1FF8, v61;
	v11 =	vor.u32 v51, v11;
	v14 =	vld.idx.msk [tilespmem:v14+s13+$0x0], $0xffff;
	v4 =	vadd.f32 v6, v4  }
0x2a6: {  	v55 =	vadd.s32 s19, v49;
	v8 =	vor.u32 v51, v8;
	[tilespmem:s3+$0x0] =	vst v29;
	v29 =	vld.idx.msk [tilespmem:v47+s13+$0x0], $0xffff;
	v9 =	vor.u32 v51, v9  }
0x2a7: {  	s25 =	sadd.s32 $0x80, s25;
	v6 =	vld.idx.msk [tilespmem:v52+s13+$0x0], $0xffff;
	v2 =	vadd.f32 v4, v46;
	v46 =	vadd.s32 s18, v48;
	v4 =	vand.u32 $0x1FF8, v55  }
0x2a8: {  	s8 =	sadd.s32 $0xFFFFFF90, s25;
	v7 =	vld.idx.msk [tilespmem:v7+s13+$0x0], $0xffff;
	v46 =	vand.u32 $0x1FF8, v46;
	v4 =	vor.u32 v51, v4;
	v51 =	vadd.s32 s19, v25  }
0x2a9: {  	s11 =	sadd.s32 $0xFFFFFFF0, s25;
	s5 =	sand.u32 $0x100, s8;
	v53 =	vadd.s32 s9, v25;
	v10 =	vld.idx.msk [tilespmem:v10+s13+$0x0], $0xffff;
	v46 =	vor.u32 v50, v46;
	v51 =	vand.u32 $0x1FF8, v51  }
0x2aa: {  	s11 =	sand.u32 $0xE0, s11;
	s15 =	sor.u32 $0xE0E0, s5;
	v53 =	vand.u32 $0x1FF8, v53;
	v11 =	vld.idx.msk [tilespmem:v11+s13+$0x0], $0xffff;
	v2 =	vmul.f32 $1.428571490e-01, v2;
	v51 =	vor.u32 v15, v51  }
0x2ab: {  	s11 =	sadd.s32 s11, s15;
	v59 =	vadd.s32 s10, v48;
	v49 =	vor.u32 s7, v49;
	v53 =	vor.u32 v15, v53;
	v8 =	vld.idx.msk [tilespmem:v8+s13+$0x0], $0xffff  }
0x2ac: {  	v30 =	vadd.f32 v32, v30;
	v32 =	vadd.f32 v34, v33;
	v9 =	vld.idx.msk [tilespmem:v9+s13+$0x0], $0xffff;
	[tilespmem:s11+$0x0] =	vst v2;
	v2 =	vand.u32 $0x1FF8, v59  }
0x2ad: {  	v33 =	vadd.f32 v36, v35;
	v54 =	vadd.s32 s16, v62;
	v2 =	vor.u32 v50, v2;
	v4 =	vld.idx.msk [tilespmem:v4+s13+$0x0], $0xffff  }
0x2ae: {  	v54 =	vand.u32 $0x1FF8, v54;
	v48 =	vor.u32 s7, v48;
	v35 =	vld.idx.msk [tilespmem:v46+s13+$0x0], $0xffff;
	v46 =	vadd.f32 v40, v39  }
0x2af: {  	v54 =	vor.u32 v16, v54;
	v40 =	vmul.f32 $1.428571490e-01, v27;
	v27 =	vadd.f32 v42, v33;
	v42 =	vld.idx.msk [tilespmem:v51+s13+$0x0], $0xffff  }
0x2b0: {  	v56 =	vadd.s32 s6, v62;
	v52 =	vadd.s32 s9, v62;
	v8 =	vadd.f32 v8, v46;
	v46 =	vld.idx.msk [tilespmem:v53+s13+$0x0], $0xffff  }
0x2b1: {  	v56 =	vand.u32 $0x1FF8, v56;
	v57 =	vadd.s32 s6, v25;
	v52 =	vand.u32 $0x1FF8, v52;
	v53 =	vld [tilespmem:$0x1FF20]  }
0x2b2: {  	v34 =	vadd.f32 v38, v37;
	v58 =	vadd.s32 s10, v62;
	v52 =	vor.u32 v16, v52;
	v2 =	vld.idx.msk [tilespmem:v2+s13+$0x0], $0xffff  }
0x2b3: {  	v60 =	vadd.s32 s18, v62;
	v57 =	vand.u32 $0x1FF8, v57;
	v61 =	vadd.s32 s18, v25;
	[tilespmem:s22+$0x0] =	vst v26;
	v26 =	vld.idx.msk [tilespmem:v48+s13+$0x0], $0xffff  }
0x2b4: {  	v58 =	vand.u32 $0x1FF8, v58;
	v60 =	vand.u32 $0x1FF8, v60;
	v57 =	vor.u32 v15, v57;
	v48 =	vld.idx.msk [tilespmem:v54+s13+$0x0], $0xffff  }
0x2b5: {  	v61 =	vand.u32 $0x1FF8, v61;
	v58 =	vor.u32 v16, v58;
	v60 =	vor.u32 v16, v60;
	[tilespmem:s20+$0x0] =	vst v28;
	v54 =	vld [tilespmem:$0x1FF40]  }
0x2b6: {  	v61 =	vor.u32 v15, v61;
	v50 =	vadd.s32 s19, v62;
	v4 =	vadd.f32 v4, v30;
	v28 =	vld.idx.msk [tilespmem:v49+s13+$0x0], $0xffff  }
0x2b7: {  	v50 =	vand.u32 $0x1FF8, v50;
	v30 =	vadd.f32 v44, v34;
	v44 =	vadd.f32 v13, v12;
	v13 =	vld.idx.msk [tilespmem:v52+s13+$0x0], $0xffff  }
0x2b8: {  	v56 =	vor.u32 v16, v56;
	v50 =	vor.u32 v16, v50;
	v52 =	vld [tilespmem:$0x1FF10]  }
0x2b9: {  	v0 =	vadd.f32 v1, v0;
	v55 =	vadd.s32 s16, v25;
	v6 =	vadd.f32 v6, v41;
	v49 =	vld.idx.msk [tilespmem:v57+s13+$0x0], $0xffff  }
0x2ba: {  	v62 =	vor.u32 s7, v62;
	v5 =	vadd.f32 v7, v5;
	v51 =	vadd.f32 v19, v18;
	[tilespmem:s21+$0x0] =	vst v40;
	v18 =	vld.idx.msk [tilespmem:v58+s13+$0x0], $0xffff  }
0x2bb: {  	v55 =	vand.u32 $0x1FF8, v55;
	v11 =	vadd.f32 v11, v32;
	v57 =	vadd.f32 v21, v20;
	v20 =	vld.idx.msk [tilespmem:v60+s13+$0x0], $0xffff  }
0x2bc: {  	v55 =	vor.u32 v15, v55;
	v3 =	vadd.f32 v10, v3;
	v0 =	vadd.f32 v9, v0;
	v21 =	vld.idx.msk [tilespmem:v61+s13+$0x0], $0xffff  }
0x2bd: {  	v59 =	vadd.s32 s10, v25;
	v5 =	vadd.f32 v11, v5;
	v12 =	vadd.f32 v14, v43;
	v41 =	vld.idx.msk [tilespmem:v50+s13+$0x0], $0xffff  }
0x2be: {  	s24 =	sadd.s32 $0x8, s24;
	v59 =	vand.u32 $0x1FF8, v59;
	v58 =	vadd.f32 v24, v23;
	v60 =	vld [tilespmem:$0x1FE10];
	v47 =	vadd.f32 v35, v31  }
0x2bf: {  	s23 =	smov.u32 s12;
	p1 =	slt.u32 s24, $0x18;
	s2 =	sadd.s32 $0xFFFFFFA0, s25;
	v59 =	vor.u32 v15, v59;
	v23 =	vld.idx.msk [tilespmem:v62+s13+$0x0], $0xffff;
	v3 =	vadd.f32 v4, v3;
	v10 =	vadd.f32 v27, v44  }
0x2c0: {  	s4 =	sadd.s32 $0xFFFFFFB0, s25;
	s12 =	sadd.s32 $0xFFFFFFC0, s25;
	s17 =	sadd.s32 $0xFFFFFFD0, s25;
	v63 =	vor.u32 s7, v25;
	v62 =	vld [tilespmem:$0x1FE30];
	v12 =	vadd.f32 v30, v12;
	v30 =	vadd.f32 v0, v47  }
0x2c1: {  	s30 =	sadd.s32 $0xFFFFFFE0, s25;
	s2 =	sand.u32 $0x90, s2;
	s4 =	sand.u32 $0xA0, s4;
	v2 =	vadd.f32 v2, v45;
	v14 =	vadd.f32 v26, v29;
	v26 =	vld.idx.msk [tilespmem:v55+s13+$0x0], $0xffff  }
0x2c2: {  	s29 =	sand.u32 $0xB0, s12;
	s5 =	sand.u32 $0xC0, s17;
	s1 =	sand.u32 $0x80, s8;
	v27 =	vld.idx.msk [tilespmem:v56+s13+$0x0], $0xffff;
	v6 =	vadd.f32 v28, v6;
	v50 =	vadd.f32 v42, v41  }
0x2c3: {  	s12 =	sadd.s32 s5, s15;
	s8 =	sadd.s32 s4, s15;
	s17 =	sadd.s32 s1, s15;
	v61 =	vld [tilespmem:$0x1FE20];
	v4 =	vadd.f32 v46, v13;
	v9 =	vadd.f32 v60, v22  }
.Ltmp6:
0x2c4: {  	s1 =	sadd.s32 s2, s15;
	s2 =	sadd.s32 s29, s15;
	v19 =	vld.idx.msk [tilespmem:v59+s13+$0x0], $0xffff;
	v28 =	vadd.f32 v17, v58;
	v0 =	vadd.f32 v3, v50;
	(pc) =	sbr.rel @p1 .LBB2_9-.Ltmp6, $4  }
0x2c5: {  	s3 =	smov.u32 s2;
	s11 =	sand.u32 $0xD0, s30;
	s30 =	sand.u32 $0xF0, s25;
	v24 =	vld.idx.msk [tilespmem:v63+s13+$0x0], $0xffff;
	v2 =	vadd.f32 v8, v2;
	v6 =	vadd.f32 v6, v14  }
0x2c6: {  	s18 =	sadd.s32 $0x380, s18;
	s29 =	sadd.s32 s11, s15;
	s15 =	sadd.s32 s30, s15;
	v63 =	vld [tilespmem:$0x1FF30];
	v4 =	vadd.f32 v5, v4;
	v59 =	vadd.f32 v26, v48;
	v0 =	vmul.f32 $1.428571490e-01, v0  }
0x2c7: {  	s21 =	smov.u32 s28;
	s28 =	smov.u32 s15;
	s22 =	smov.u32 s0;
	v56 =	vld [tilespmem:$0x1FF60];
	v15 =	vmovc v12;
	v22 =	vadd.f32 v49, v27;
	v32 =	vmul.f32 $1.428571490e-01, v9;
	v27 =	vadd.f32 v62, v57;
	v16 =	vmovc v2  }
0x2c8: {  	s0 =	smov.u32 s29;
	s20 =	smov.u32 s26;
	s26 =	smov.u32 s17;
	v55 =	vld [tilespmem:$0x1FF50];
	v26 =	vadd.f32 v61, v51;
	v33 =	vmul.f32 $1.428571490e-01, v4;
	v17 =	vmovc v6;
	v29 =	vadd.f32 v10, v59;
	[tilespmem:s1+$0x0] =	vst v0  }
0x2c9: {  	_ = 	snop  }
0x2ca: {  	[tilespmem:s23+$0x0] =	vst v32;
	v2 =	vadd.f32 v19, v18;
	v0 =	vmul.f32 $1.428571490e-01, v29  }
0x2cb: {  	[tilespmem:s8+$0x0] =	vst v33;
	v1 =	vmul.f32 $1.428571490e-01, v26  }
0x2cc: {  	v3 =	vadd.f32 v24, v23;
	v2 =	vadd.f32 v16, v2;
	[tilespmem:s3+$0x0] =	vst v0;
	v0 =	vmul.f32 $1.428571490e-01, v28  }
0x2cd: {  	v4 =	vadd.f32 v15, v22;
	v5 =	vadd.f32 v21, v20;
	[tilespmem:s22+$0x0] =	vst v1;
	v1 =	vmul.f32 $1.428571490e-01, v27  }
0x2ce: {  	v2 =	vmul.f32 $1.428571490e-01, v2;
	[tilespmem:s20+$0x0] =	vst v0;
	v0 =	vadd.f32 v17, v3  }
0x2cf: {  	v3 =	vmul.f32 $1.428571490e-01, v4;
	[tilespmem:s21+$0x0] =	vst v1;
	v1 =	vadd.f32 v30, v5  }
0x2d0: {  	[tilespmem:s0+$0x0] =	vst v2;
	v0 =	vmul.f32 $1.428571490e-01, v0  }
0x2d1: {  	[tilespmem:s12+$0x0] =	vst v3;
	v1 =	vmul.f32 $1.428571490e-01, v1  }
0x2d2: {  	[tilespmem:s26+$0x0] =	vst v0  }
0x2d3: {  	[tilespmem:s28+$0x0] =	vst v1  }
0x2d4: {  	s1 =	simm.s32 $0xE0E0;
	s2 =	simm.s32 $0x3;
	s0 =	rddreg [dreg:$0x7]  }
0x2d5: {  	[hbm4b:s0+s31] =	stream.linear.scatter [tilespmem:s1], [sflag:$0x3], $0x200, $0x38;
	[tilespmem:$0xF0E0] =	vst v63  }
0x2d6: {  	_ =	swait.ge [sflag:s2], $0x200  }
0x2d7: {  	v6 =	vld [tilespmem:$0x1FFE0]  }
0x2d8: {  	v0 =	vld [tilespmem:$0x1FFA0]  }
0x2d9: {  	v1 =	vld [tilespmem:$0x1FFB0]  }
.Ltmp7:
0x2da: {  	v2 =	vld [tilespmem:$0x1FFC0];
	(pc) =	sbr.rel .LBB2_11-.Ltmp7, $4  }
0x2db: {  	v29 =	vld [tilespmem:$0x1FF70]  }
0x2dc: {  	v3 =	vld [tilespmem:$0x1FFD0]  }
0x2dd: {  	[sflag:s2] =	ssyncset.done $0x0;
	v32 =	vld [tilespmem:$0x1FF80]  }
0x2de: {  	v7 =	vmov v25;
	v4 =	vld [tilespmem:$0x1FF90];
	s1 =	rddreg [dreg:$0xa];
	[sflag:s2] =	ssyncadd.s32 $0xFFFFFE00  }
.LBB2_12:
0x2df: {  	_ =	sfence.sel $0x180000  }
0x2e0: {  	[bflag:$0x0] =	sbarrier.arrive $0xFFFF  }
0x2e1: {  	_ =	strace $0x90000047  }
0x2e2: {  	s0 =	stileid.u32;
	[bflag:$0x2] =	sbarrier.arrive $0xFFFF  }
0x2e3: {  	p0 =	sne.s32 s0, $0x0;
	s0 =	rddreg [dreg:$0x2]  }
0x2e4: {  	s0 =	sadd.s32 @!p0 $0x100000, s0  }
0x2e5: {  	[sflag:s0] =	ssyncadd.tile.s32 @!p0 $0x1;
	_ =	shalt  }
.Lfunc_end2:
_tile_overlayer_lowered:
.L_overlay_start_2:
0x2e6: {  	(tag) =	ssettag $0x2  }
0x2e7: {  	s0 =	rddreg [dreg:$0x0];
	s2 =	stileid.u32  }
0x2e8: {  	s1 =	rddreg [dreg:$0x1];
	p0 =	sne.s32 s2, $0x0  }
0x2e9: {  	s3 =	rddreg [dreg:$0x2];
	[bflag:$0x3] =	sbarrier.arrive $0xFFFF;
	s2 =	simm.s32 @!p0 $0x1C03  }
0x2ea: {  	[timem:s3], [sflag:s2] =	dma.local @!p0 [hbm:s0], s1  }
0x2eb: {  	s0 =	simm.s32 @!p0 $0x3  }
0x2ec: {  	_ =	swait.ge @!p0 [sflag:s0], s1  }
0x2ed: {  	s1 =	ssub.s32 @!p0 $0x0, s1;
	[sflag:s0] =	ssyncset.done @!p0 $0x0  }
0x2ee: {  	[sflag:s0] =	ssyncadd.s32 @!p0 s1  }
0x2ef: {  	[bflag:$0x3] =	sbarrier.arrive $0xFFFF  }
0x2f0: {  	_ =	shalt  }

</sc_bundles>
